<compile_context>
chip_gen: v7x
topology: tpu7x:2x2x1
jax: 0.10.2.dev20260603
libtpu: 0.0.44.dev20260713+nightly
codegen_flags: <defaults>
</compile_context>

<pallas_src>
import functools

import numpy as np
import jax
import jax.numpy as jnp
from jax import lax
from jax.experimental import pallas as pl
from jax.experimental.pallas import tpu as pltpu
from jax.experimental.pallas import tpu_sc as plsc

NUM_RAYS = 4096
N_COARSE = 64
INTERS_FINE = 128
NS_OUT = INTERS_FINE + 1
NS_PAD = 144
ROWS_PER_TILE = NUM_RAYS // 32
L = 16
NV = NS_PAD // L


def _np_threefry2x32(k0, k1, x0, x1):
    rotations = ((13, 15, 26, 6), (17, 29, 16, 24))
    ks = [np.uint32(k0), np.uint32(k1),
          np.uint32(k0) ^ np.uint32(k1) ^ np.uint32(0x1BD11BDA)]
    x = [x0 + ks[0], x1 + ks[1]]

    def rotl(v, d):
        return (v << np.uint32(d)) | (v >> np.uint32(32 - d))

    for i in range(5):
        for r in rotations[i % 2]:
            x[0] = x[0] + x[1]
            x[1] = rotl(x[1], r)
            x[1] = x[0] ^ x[1]
        x[0] = x[0] + ks[(i + 1) % 3]
        x[1] = x[1] + ks[(i + 2) % 3] + np.uint32(i + 1)
    return x


@functools.lru_cache(maxsize=1)
def _stratified_u():
    n = NUM_RAYS * NS_OUT
    with np.errstate(over="ignore"):
        r0, r1 = _np_threefry2x32(0, 42, np.zeros(n, np.uint32),
                                  np.arange(n, dtype=np.uint32))
    bits = r0 ^ r1
    s = 1.0 / (INTERS_FINE + 1)
    maxval = np.float32(s - float(np.finfo(np.float32).eps))
    f = ((bits >> np.uint32(9)) | np.uint32(0x3F800000)).view(np.float32)
    jitter = np.maximum(np.float32(0.0), (f - np.float32(1.0)) * maxval)
    u = (np.arange(NS_OUT, dtype=np.float32) * np.float32(s))[None, :] \
        + jitter.reshape(NUM_RAYS, NS_OUT)
    u = np.minimum(u, np.float32(1.0 - float(np.finfo(np.float32).eps)))
    u = np.pad(u, ((0, 0), (0, NS_PAD - NS_OUT)), constant_values=0.5)
    return np.ascontiguousarray(u.reshape(-1))


def _sc_body(w_hbm, ti_hbm, u_hbm, out_hbm,
             wv, tiv, uv, out_v, cdf_v, usv, cnt_v, cs_v, dsem):
    nc = 2
    wid = lax.axis_index("s") * nc + lax.axis_index("c")
    base = wid * ROWS_PER_TILE
    c1 = pltpu.async_copy(w_hbm.at[pl.ds(base, ROWS_PER_TILE)], wv, dsem)
    c2 = pltpu.async_copy(ti_hbm.at[pl.ds(base, ROWS_PER_TILE)], tiv, dsem)
    c3 = pltpu.async_copy(
        u_hbm.at[pl.ds(base * NS_PAD, ROWS_PER_TILE * NS_PAD)], uv, dsem)
    c1.wait()
    c2.wait()
    c3.wait()

    lanes = lax.iota(jnp.int32, L)
    cdf_v[0, pl.ds(0, L)] = jnp.zeros((L,), jnp.float32)
    idx64 = jnp.full((L,), N_COARSE, jnp.int32)
    idx15 = jnp.full((L,), L - 1, jnp.int32)
    lane0 = lanes == 0
    zeros_i = jnp.zeros((L,), jnp.int32)
    ones_i = jnp.ones((L,), jnp.int32)
    gidx = [lanes + L * uk for uk in range(NV)]

    def do_ray(r, slot, svec):
        rvec = jnp.full((L,), r, jnp.int32)
        blur = []
        for k in range(4):
            j = L * k
            b = wv[r, pl.ds(j, L)]
            if k == 0:
                a = plsc.load_gather(wv, [rvec, jnp.maximum(lanes - 1, 0)])
            else:
                a = wv[r, pl.ds(j - 1, L)]
            if k == 3:
                c = plsc.load_gather(
                    wv, [rvec, jnp.minimum(lanes + (j + 1), N_COARSE - 1)])
            else:
                c = wv[r, pl.ds(j + 1, L)]
            blur.append((jnp.maximum(a, b) + jnp.maximum(b, c)) * 0.5 + 0.01)
        tot = blur[0] + blur[1] + blur[2] + blur[3]
        cs_v[slot, pl.ds(0, L)] = plsc.cumsum(tot)
        seff = plsc.load_gather(cs_v, [svec, idx15])
        scale = float(NS_OUT) / seff

        us = []
        for uk in range(NV):
            usk = uv[pl.ds(r * NS_PAD + L * uk, L)] * seff
            usv[slot, pl.ds(L * uk, L)] = usk
            us.append(usk)

        carry = jnp.zeros((L,), jnp.float32)
        creg = []
        for k in range(4):
            c = plsc.cumsum(blur[k]) + carry
            cs_v[slot, pl.ds(0, L)] = c
            carry = plsc.load_gather(cs_v, [svec, idx15])
            cdf_v[slot, pl.ds(1 + L * k, L)] = c
            creg.append(c)
        plsc.store_scatter(cdf_v, [svec, idx64], seff, mask=lane0)

        for v in range(NV + 1):
            cnt_v[slot, pl.ds(L * v, L)] = zeros_i

        for k in range(4):
            cv = creg[k]
            m = lax.convert_element_type(cv * scale, jnp.int32)
            s0 = jnp.maximum(m - 1, 0)
            q = s0
            for d in range(3):
                idx = s0 + d
                g = plsc.load_gather(usv, [svec, jnp.minimum(idx, INTERS_FINE)])
                hit = (g < cv) & (idx <= INTERS_FINE)
                q = q + jnp.where(hit, 1, 0)
            plsc.addupdate_scatter(cnt_v, [svec, q], ones_i)
            plsc.addupdate_scatter(cnt_v, [svec, ((q >> 4) + 1) + NS_PAD], ones_i)

        cnt_v[slot, pl.ds(NS_PAD, L)] = plsc.cumsum(cnt_v[slot, pl.ds(NS_PAD, L)])

        for uk in range(NV):
            kin = plsc.cumsum(cnt_v[slot, pl.ds(L * uk, L)])
            carryk = plsc.load_gather(
                cnt_v, [svec, jnp.full((L,), NS_PAD + uk, jnp.int32)])
            kj = jnp.minimum(kin + carryk, N_COARSE - 1)
            g0 = plsc.load_gather(cdf_v, [svec, kj])
            g1 = plsc.load_gather(cdf_v, [svec, kj + 1])
            kj2 = kj * 2
            tv0 = plsc.load_gather(tiv, [rvec, kj2])
            tv1 = plsc.load_gather(
                tiv, [rvec, jnp.minimum(kj2 + 2, 2 * N_COARSE - 1)])
            t = (us[uk] - g0) / (g1 - g0)
            t = jnp.clip(t, 0.0, 1.0)
            tn = tv0 + t * (tv1 - tv0)
            g = gidx[uk]
            if uk < NV - 1:
                plsc.store_scatter(out_v, [rvec, g * 2], tn)
                if uk == 0:
                    plsc.store_scatter(
                        out_v, [rvec, jnp.maximum(g * 2 - 1, 0)], tn,
                        mask=g >= 1)
                else:
                    plsc.store_scatter(out_v, [rvec, g * 2 - 1], tn)
            else:
                msk = g <= INTERS_FINE
                plsc.store_scatter(
                    out_v, [rvec, jnp.where(msk, g * 2 - 1, 0)], tn, mask=msk)
    svec0 = jnp.zeros((L,), jnp.int32)

    def ray_body(i, carry_none):
        do_ray(i, 0, svec0)
        return carry_none

    lax.fori_loop(0, ROWS_PER_TILE, ray_body, None)
    pltpu.sync_copy(out_v, out_hbm.at[pl.ds(base, ROWS_PER_TILE)])


@jax.jit
def _sc_call(w, ti, u):
    mesh = plsc.VectorSubcoreMesh(
        core_axis_name="c", subcore_axis_name="s", num_cores=2, num_subcores=16)
    return pl.kernel(
        _sc_body,
        out_type=jax.ShapeDtypeStruct((NUM_RAYS, 2 * INTERS_FINE), jnp.float32),
        mesh=mesh,
        scratch_types=[
            pltpu.VMEM((ROWS_PER_TILE, N_COARSE), jnp.float32),
            pltpu.VMEM((ROWS_PER_TILE, 2 * N_COARSE), jnp.float32),
            pltpu.VMEM((ROWS_PER_TILE * NS_PAD,), jnp.float32),
            pltpu.VMEM((ROWS_PER_TILE, 2 * INTERS_FINE), jnp.float32),
            pltpu.VMEM((2, 72), jnp.float32),
            pltpu.VMEM((2, NS_PAD), jnp.float32),
            pltpu.VMEM((2, NS_PAD + L), jnp.int32),
            pltpu.VMEM((2, L), jnp.float32),
            pltpu.SemaphoreType.DMA,
        ],
        compiler_params=pltpu.CompilerParams(needs_layout_passes=False),
    )(w, ti, u)


def kernel(weights, t_inters):
    w = weights.astype(jnp.float32)
    ti = t_inters.astype(jnp.float32).reshape(NUM_RAYS, 2 * N_COARSE)
    out = _sc_call(w, ti, _stratified_u())
    return out.reshape(NUM_RAYS, INTERS_FINE, 2)

# --- scband reference (transcript-rebuilt; emitter-appended) ---
"""Pipeline reference for scband-sample-pdf-47588237639988 (READ-ONLY COPY).

The authoritative reference and input builder live on the scoring server;
editing this copy changes nothing except your own understanding.
"""

import jax, jax.numpy as jnp
import numpy as np

NUM_RAYS = 4096
INTERS_FINE = 128
N_COARSE = 64

def setup_inputs(seed: int = 0) -> dict:
    key = jax.random.key(seed)
    k1, k2 = jax.random.split(key)
    weights = jax.random.uniform(k1, (NUM_RAYS, N_COARSE), dtype=jnp.float32)
    # build valid contiguous sorted intervals for t_inters (NeRF near/far bounds ~ [2, 6])
    t0 = jnp.sort(jax.random.uniform(k2, (NUM_RAYS, N_COARSE + 1), dtype=jnp.float32) * 4.0 + 2.0, axis=-1)
    t_inters = jnp.stack([t0[:, :-1], t0[:, 1:]], axis=-1)
    return {"weights": weights, "t_inters": t_inters}


def reference(weights, t_inters):
    eps = 1e-05
    num_rays = NUM_RAYS
    inters_fine = INTERS_FINE
    weights_pad = jnp.concatenate([weights[:, :1], weights, weights[:, -1:]], axis=-1)
    weights_max = jnp.maximum(weights_pad[:, :-1], weights_pad[:, 1:])
    weights_blur = (weights_max[:, :-1] + weights_max[:, 1:]) / 2.0
    weights = weights_blur + 0.01
    t_vals = jnp.concatenate([t_inters[..., 0], t_inters[:, -1:, 1]], axis=-1)
    weights_sum = jnp.sum(weights, axis=-1, keepdims=True)
    padding = jnp.maximum(0.0, eps - weights_sum)
    weights = weights + padding / weights.shape[-1]
    weights_sum = weights_sum + padding
    pdf = weights / weights_sum
    cdf = jnp.minimum(1.0, jnp.cumsum(pdf[..., :-1], axis=-1))
    first_array = jnp.zeros([num_rays, 1], dtype=jnp.float32)
    last_array = jnp.ones([num_rays, 1], dtype=jnp.float32)
    cdf = jnp.concatenate([first_array, cdf, last_array], axis=-1)
    s = 1.0 / (inters_fine + 1)
    u = jnp.arange(inters_fine + 1, dtype=jnp.float32) * s
    u = jnp.broadcast_to(u, (num_rays, inters_fine + 1))
    jitter = jax.random.uniform(jax.random.key(42), (num_rays, inters_fine + 1), dtype=jnp.float32, minval=0.0, maxval=s - float(np.finfo(np.float32).eps))
    u = u + jitter
    u = jnp.minimum(u, 1.0 - float(np.finfo(np.float32).eps))
    mask = u[..., None, :] >= cdf[..., None]
    bins_g0 = jnp.max(jnp.where(mask, t_vals[..., None], t_vals[:, :1, None]), axis=1)
    bins_g1 = jnp.min(jnp.where(~mask, t_vals[..., None], t_vals[:, -1:, None]), axis=1)
    cdf_g0 = jnp.max(jnp.where(mask, cdf[..., None], cdf[:, :1, None]), axis=1)
    cdf_g1 = jnp.min(jnp.where(~mask, cdf[..., None], cdf[:, -1:, None]), axis=1)
    t = (u - cdf_g0) / (cdf_g1 - cdf_g0)
    t = jnp.where(jnp.isnan(t), 0.0, t)
    t = jnp.clip(t, 0.0, 1.0)
    t_vals_new = bins_g0 + t * (bins_g1 - bins_g0)
    t_vals_new = jax.lax.stop_gradient(t_vals_new)
    t_vals_new = jnp.sort(t_vals_new, axis=-1)
    t_inters_out = jnp.stack([t_vals_new[:, :-1], t_vals_new[:, 1:]], axis=-1)
    return t_inters_out

if __name__ == "__main__":
    import jax
    _d = setup_inputs()
    print(jax.jit(kernel)(*tuple(_d.values())))

</pallas_src>

<mosaic_0001>
#map = affine_map<(d0, d1) -> (0, 0)>
#map1 = affine_map<(d0, d1) -> (0)>
module attributes {stable_mosaic.version = 14 : i64} {
  func.func @_sc_body(%arg0: i32, %arg1: i32, %arg2: memref<4096x64xf32, #tpu.memory_space<hbm>>, %arg3: memref<4096x128xf32, #tpu.memory_space<hbm>>, %arg4: memref<589824xf32, #tpu.memory_space<hbm>>, %arg5: memref<4096x256xf32, #tpu.memory_space<hbm>>, %arg6: memref<128x64xf32, #tpu.memory_space<vmem>>, %arg7: memref<128x128xf32, #tpu.memory_space<vmem>>, %arg8: memref<18432xf32, #tpu.memory_space<vmem>>, %arg9: memref<128x256xf32, #tpu.memory_space<vmem>>, %arg10: memref<2x72xf32, #tpu.memory_space<vmem>>, %arg11: memref<2x144xf32, #tpu.memory_space<vmem>>, %arg12: memref<2x160xi32, #tpu.memory_space<vmem>>, %arg13: memref<2x16xf32, #tpu.memory_space<vmem>>, %arg14: memref<!tpu.dma_semaphore, #tpu.memory_space<semaphore_mem>>) attributes {dimension_semantics = [#tpu.dimension_semantics<core_parallel>, #tpu.dimension_semantics<subcore_parallel>], iteration_bounds = array<i64: 2, 16>, scalar_prefetch = 0 : i64, scratch_operands = 9 : i64, tpu.core_type = #tpu.core_type<sc_vector_subcore>, window_params = [{transform_indices = #map}, {transform_indices = #map}, {transform_indices = #map1}, {transform_indices = #map}]} {
    %mul3A = arith.constant 2 : i32
    %mul3A_0 = arith.muli %arg1, %mul3A : i32
    %add3A = arith.addi %mul3A_0, %arg0 : i32
    %mul3A_1 = arith.constant 128 : i32
    %mul3A_2 = arith.muli %add3A, %mul3A_1 : i32
    %dma_start3A = arith.constant 0 : i32
    %dma_start3A_3 = tpu.memref_slice %arg2[%mul3A_2, %dma_start3A] : memref<4096x64xf32, #tpu.memory_space<hbm>> -> memref<128x64xf32, #tpu.memory_space<hbm>>
    %dma_start3A_4 = arith.constant 0 : i32
    %dma_start3A_5 = tpu.memref_slice %arg2[%mul3A_2, %dma_start3A_4] : memref<4096x64xf32, #tpu.memory_space<hbm>> -> memref<128x64xf32, #tpu.memory_space<hbm>>
    tpu.enqueue_dma source(%dma_start3A_5 : memref<128x64xf32, #tpu.memory_space<hbm>>) target(%arg6 : memref<128x64xf32, #tpu.memory_space<vmem>>) target_semaphore(%arg14 : memref<!tpu.dma_semaphore, #tpu.memory_space<semaphore_mem>>)
    %dma_start3A_6 = arith.constant 0 : i32
    %dma_start3A_7 = tpu.memref_slice %arg3[%mul3A_2, %dma_start3A_6] : memref<4096x128xf32, #tpu.memory_space<hbm>> -> memref<128x128xf32, #tpu.memory_space<hbm>>
    %dma_start3A_8 = arith.constant 0 : i32
    %dma_start3A_9 = tpu.memref_slice %arg3[%mul3A_2, %dma_start3A_8] : memref<4096x128xf32, #tpu.memory_space<hbm>> -> memref<128x128xf32, #tpu.memory_space<hbm>>
    tpu.enqueue_dma source(%dma_start3A_9 : memref<128x128xf32, #tpu.memory_space<hbm>>) target(%arg7 : memref<128x128xf32, #tpu.memory_space<vmem>>) target_semaphore(%arg14 : memref<!tpu.dma_semaphore, #tpu.memory_space<semaphore_mem>>)
    %mul3A_10 = arith.constant 144 : i32
    %mul3A_11 = arith.muli %mul3A_2, %mul3A_10 : i32
    %dma_start3A_12 = tpu.memref_slice %arg4[%mul3A_11] : memref<589824xf32, #tpu.memory_space<hbm>> -> memref<18432xf32, #tpu.memory_space<hbm>>
    %dma_start3A_13 = tpu.memref_slice %arg4[%mul3A_11] : memref<589824xf32, #tpu.memory_space<hbm>> -> memref<18432xf32, #tpu.memory_space<hbm>>
    tpu.enqueue_dma source(%dma_start3A_13 : memref<18432xf32, #tpu.memory_space<hbm>>) target(%arg8 : memref<18432xf32, #tpu.memory_space<vmem>>) target_semaphore(%arg14 : memref<!tpu.dma_semaphore, #tpu.memory_space<semaphore_mem>>)
    %dma_wait3A = arith.constant 0 : i32
    %dma_wait3A_14 = tpu.memref_slice %arg2[%mul3A_2, %dma_wait3A] : memref<4096x64xf32, #tpu.memory_space<hbm>> -> memref<128x64xf32, #tpu.memory_space<hbm>>
    %dma_wait3A_15 = arith.constant 0 : i32
    %dma_wait3A_16 = tpu.memref_slice %arg2[%mul3A_2, %dma_wait3A_15] : memref<4096x64xf32, #tpu.memory_space<hbm>> -> memref<128x64xf32, #tpu.memory_space<hbm>>
    tpu.wait_dma2 semaphore(%arg14 : memref<!tpu.dma_semaphore, #tpu.memory_space<semaphore_mem>>) src(%dma_wait3A_16 : memref<128x64xf32, #tpu.memory_space<hbm>>) dst(%arg6 : memref<128x64xf32, #tpu.memory_space<vmem>>)
    %dma_wait3A_17 = arith.constant 0 : i32
    %dma_wait3A_18 = tpu.memref_slice %arg3[%mul3A_2, %dma_wait3A_17] : memref<4096x128xf32, #tpu.memory_space<hbm>> -> memref<128x128xf32, #tpu.memory_space<hbm>>
    %dma_wait3A_19 = arith.constant 0 : i32
    %dma_wait3A_20 = tpu.memref_slice %arg3[%mul3A_2, %dma_wait3A_19] : memref<4096x128xf32, #tpu.memory_space<hbm>> -> memref<128x128xf32, #tpu.memory_space<hbm>>
    tpu.wait_dma2 semaphore(%arg14 : memref<!tpu.dma_semaphore, #tpu.memory_space<semaphore_mem>>) src(%dma_wait3A_20 : memref<128x128xf32, #tpu.memory_space<hbm>>) dst(%arg7 : memref<128x128xf32, #tpu.memory_space<vmem>>)
    %dma_wait3A_21 = tpu.memref_slice %arg4[%mul3A_11] : memref<589824xf32, #tpu.memory_space<hbm>> -> memref<18432xf32, #tpu.memory_space<hbm>>
    %dma_wait3A_22 = tpu.memref_slice %arg4[%mul3A_11] : memref<589824xf32, #tpu.memory_space<hbm>> -> memref<18432xf32, #tpu.memory_space<hbm>>
    tpu.wait_dma2 semaphore(%arg14 : memref<!tpu.dma_semaphore, #tpu.memory_space<semaphore_mem>>) src(%dma_wait3A_22 : memref<18432xf32, #tpu.memory_space<hbm>>) dst(%arg8 : memref<18432xf32, #tpu.memory_space<vmem>>)
    %iota3A = tpu.iota {dimensions = array<i32: 0>} : vector<16xi32>
    %broadcast_in_dim3A = arith.constant 0.000000e+00 : f32
    %broadcast_in_dim3A_23 = vector.broadcast %broadcast_in_dim3A : f32 to vector<16xf32>
    %swap3A = arith.constant 0 : i32
    %swap3A_24 = arith.index_cast %swap3A : i32 to index
    %swap3A_25 = arith.constant 0 : index
    %swap3A_26 = tpu.vector_load %arg10[%swap3A_24, %swap3A_25] {strides = array<i32>} : memref<2x72xf32, #tpu.memory_space<vmem>>, vector<16xf32>,
    tpu.vector_store %arg10[%swap3A_24, %swap3A_25], %broadcast_in_dim3A_23 {strides = array<i32>} : memref<2x72xf32, #tpu.memory_space<vmem>>, vector<16xf32>,
    %broadcast_in_dim3A_27 = arith.constant 64 : i32
    %broadcast_in_dim3A_28 = vector.broadcast %broadcast_in_dim3A_27 : i32 to vector<16xi32>
    %broadcast_in_dim3A_29 = arith.constant 15 : i32
    %broadcast_in_dim3A_30 = vector.broadcast %broadcast_in_dim3A_29 : i32 to vector<16xi32>
    %eq3A = arith.constant 0 : i32
    %eq3A_31 = vector.broadcast %eq3A : i32 to vector<16xi32>
    %eq3A_32 = arith.cmpi eq, %iota3A, %eq3A_31 : vector<16xi32>
    %broadcast_in_dim3A_33 = arith.constant 0 : i32
    %broadcast_in_dim3A_34 = vector.broadcast %broadcast_in_dim3A_33 : i32 to vector<16xi32>
    %broadcast_in_dim3A_35 = arith.constant 1 : i32
    %broadcast_in_dim3A_36 = vector.broadcast %broadcast_in_dim3A_35 : i32 to vector<16xi32>
    %add3A_37 = arith.constant 0 : i32
    %add3A_38 = vector.broadcast %add3A_37 : i32 to vector<16xi32>
    %add3A_39 = arith.addi %iota3A, %add3A_38 : vector<16xi32>
    %add3A_40 = arith.constant 16 : i32
    %add3A_41 = vector.broadcast %add3A_40 : i32 to vector<16xi32>
    %add3A_42 = arith.addi %iota3A, %add3A_41 : vector<16xi32>
    %add3A_43 = arith.constant 32 : i32
    %add3A_44 = vector.broadcast %add3A_43 : i32 to vector<16xi32>
    %add3A_45 = arith.addi %iota3A, %add3A_44 : vector<16xi32>
    %add3A_46 = arith.constant 48 : i32
    %add3A_47 = vector.broadcast %add3A_46 : i32 to vector<16xi32>
    %add3A_48 = arith.addi %iota3A, %add3A_47 : vector<16xi32>
    %add3A_49 = arith.constant 64 : i32
    %add3A_50 = vector.broadcast %add3A_49 : i32 to vector<16xi32>
    %add3A_51 = arith.addi %iota3A, %add3A_50 : vector<16xi32>
    %add3A_52 = arith.constant 80 : i32
    %add3A_53 = vector.broadcast %add3A_52 : i32 to vector<16xi32>
    %add3A_54 = arith.addi %iota3A, %add3A_53 : vector<16xi32>
    %add3A_55 = arith.constant 96 : i32
    %add3A_56 = vector.broadcast %add3A_55 : i32 to vector<16xi32>
    %add3A_57 = arith.addi %iota3A, %add3A_56 : vector<16xi32>
    %add3A_58 = arith.constant 112 : i32
    %add3A_59 = vector.broadcast %add3A_58 : i32 to vector<16xi32>
    %add3A_60 = arith.addi %iota3A, %add3A_59 : vector<16xi32>
    %add3A_61 = arith.constant 128 : i32
    %add3A_62 = vector.broadcast %add3A_61 : i32 to vector<16xi32>
    %add3A_63 = arith.addi %iota3A, %add3A_62 : vector<16xi32>
    %broadcast_in_dim3A_64 = arith.constant 0 : i32
    %broadcast_in_dim3A_65 = vector.broadcast %broadcast_in_dim3A_64 : i32 to vector<16xi32>
    %scan3A = arith.constant 0 : i32
    %scan3A_66 = arith.constant 128 : i32
    %scan3A_67 = arith.addi %scan3A, %scan3A_66 : i32
    %scan3A_68 = arith.constant 1 : i32
    scf.for %scan3A_70 = %scan3A to %scan3A_67 step %scan3A_68  : i32 {
      %broadcast_in_dim3A_71 = vector.broadcast %scan3A_70 : i32 to vector<16xi32>
      %get3A = arith.index_cast %scan3A_70 : i32 to index
      %get3A_72 = arith.constant 0 : index
      %get3A_73 = tpu.vector_load %arg6[%get3A, %get3A_72] {strides = array<i32>} : memref<128x64xf32, #tpu.memory_space<vmem>>, vector<16xf32>,
      %sub3A = arith.constant 1 : i32
      %sub3A_74 = vector.broadcast %sub3A : i32 to vector<16xi32>
      %sub3A_75 = arith.subi %iota3A, %sub3A_74 : vector<16xi32>
      %max3A = arith.constant 0 : i32
      %max3A_76 = vector.broadcast %max3A : i32 to vector<16xi32>
      %max3A_77 = arith.maxsi %sub3A_75, %max3A_76 : vector<16xi32>
      %gather3A = tpu.vector_load_idx %arg6[%broadcast_in_dim3A_71, %max3A_77] : memref<128x64xf32, #tpu.memory_space<vmem>>[vector<16xi32>, vector<16xi32>], vector<16xf32>,
      %get3A_78 = arith.index_cast %scan3A_70 : i32 to index
      %get3A_79 = arith.constant 1 : index
      %get3A_80 = tpu.vector_load %arg6[%get3A_78, %get3A_79] {strides = array<i32>} : memref<128x64xf32, #tpu.memory_space<vmem>>, vector<16xf32>,
      %max3A_81 = arith.maximumf %gather3A, %get3A_73 : vector<16xf32>
      %max3A_82 = arith.maximumf %get3A_73, %get3A_80 : vector<16xf32>
      %add3A_83 = arith.addf %max3A_81, %max3A_82 : vector<16xf32>
      %mul3A_84 = arith.constant 5.000000e-01 : f32
      %mul3A_85 = vector.broadcast %mul3A_84 : f32 to vector<16xf32>
      %mul3A_86 = arith.mulf %add3A_83, %mul3A_85 : vector<16xf32>
      %add3A_87 = arith.constant 0.00999999977 : f32
      %add3A_88 = vector.broadcast %add3A_87 : f32 to vector<16xf32>
      %add3A_89 = arith.addf %mul3A_86, %add3A_88 : vector<16xf32>
      %get3A_90 = arith.index_cast %scan3A_70 : i32 to index
      %get3A_91 = arith.constant 16 : index
      %get3A_92 = tpu.vector_load %arg6[%get3A_90, %get3A_91] {strides = array<i32>} : memref<128x64xf32, #tpu.memory_space<vmem>>, vector<16xf32>,
      %get3A_93 = arith.index_cast %scan3A_70 : i32 to index
      %get3A_94 = arith.constant 15 : index
      %get3A_95 = tpu.vector_load %arg6[%get3A_93, %get3A_94] {strides = array<i32>} : memref<128x64xf32, #tpu.memory_space<vmem>>, vector<16xf32>,
      %get3A_96 = arith.index_cast %scan3A_70 : i32 to index
      %get3A_97 = arith.constant 17 : index
      %get3A_98 = tpu.vector_load %arg6[%get3A_96, %get3A_97] {strides = array<i32>} : memref<128x64xf32, #tpu.memory_space<vmem>>, vector<16xf32>,
      %max3A_99 = arith.maximumf %get3A_95, %get3A_92 : vector<16xf32>
      %max3A_100 = arith.maximumf %get3A_92, %get3A_98 : vector<16xf32>
      %add3A_101 = arith.addf %max3A_99, %max3A_100 : vector<16xf32>
      %mul3A_102 = arith.constant 5.000000e-01 : f32
      %mul3A_103 = vector.broadcast %mul3A_102 : f32 to vector<16xf32>
      %mul3A_104 = arith.mulf %add3A_101, %mul3A_103 : vector<16xf32>
      %add3A_105 = arith.constant 0.00999999977 : f32
      %add3A_106 = vector.broadcast %add3A_105 : f32 to vector<16xf32>
      %add3A_107 = arith.addf %mul3A_104, %add3A_106 : vector<16xf32>
      %get3A_108 = arith.index_cast %scan3A_70 : i32 to index
      %get3A_109 = arith.constant 32 : index
      %get3A_110 = tpu.vector_load %arg6[%get3A_108, %get3A_109] {strides = array<i32>} : memref<128x64xf32, #tpu.memory_space<vmem>>, vector<16xf32>,
      %get3A_111 = arith.index_cast %scan3A_70 : i32 to index
      %get3A_112 = arith.constant 31 : index
      %get3A_113 = tpu.vector_load %arg6[%get3A_111, %get3A_112] {strides = array<i32>} : memref<128x64xf32, #tpu.memory_space<vmem>>, vector<16xf32>,
      %get3A_114 = arith.index_cast %scan3A_70 : i32 to index
      %get3A_115 = arith.constant 33 : index
      %get3A_116 = tpu.vector_load %arg6[%get3A_114, %get3A_115] {strides = array<i32>} : memref<128x64xf32, #tpu.memory_space<vmem>>, vector<16xf32>,
      %max3A_117 = arith.maximumf %get3A_113, %get3A_110 : vector<16xf32>
      %max3A_118 = arith.maximumf %get3A_110, %get3A_116 : vector<16xf32>
      %add3A_119 = arith.addf %max3A_117, %max3A_118 : vector<16xf32>
      %mul3A_120 = arith.constant 5.000000e-01 : f32
      %mul3A_121 = vector.broadcast %mul3A_120 : f32 to vector<16xf32>
      %mul3A_122 = arith.mulf %add3A_119, %mul3A_121 : vector<16xf32>
      %add3A_123 = arith.constant 0.00999999977 : f32
      %add3A_124 = vector.broadcast %add3A_123 : f32 to vector<16xf32>
      %add3A_125 = arith.addf %mul3A_122, %add3A_124 : vector<16xf32>
      %get3A_126 = arith.index_cast %scan3A_70 : i32 to index
      %get3A_127 = arith.constant 48 : index
      %get3A_128 = tpu.vector_load %arg6[%get3A_126, %get3A_127] {strides = array<i32>} : memref<128x64xf32, #tpu.memory_space<vmem>>, vector<16xf32>,
      %get3A_129 = arith.index_cast %scan3A_70 : i32 to index
      %get3A_130 = arith.constant 47 : index
      %get3A_131 = tpu.vector_load %arg6[%get3A_129, %get3A_130] {strides = array<i32>} : memref<128x64xf32, #tpu.memory_space<vmem>>, vector<16xf32>,
      %add3A_132 = arith.constant 49 : i32
      %add3A_133 = vector.broadcast %add3A_132 : i32 to vector<16xi32>
      %add3A_134 = arith.addi %iota3A, %add3A_133 : vector<16xi32>
      %min3A = arith.constant 63 : i32
      %min3A_135 = vector.broadcast %min3A : i32 to vector<16xi32>
      %min3A_136 = arith.minsi %add3A_134, %min3A_135 : vector<16xi32>
      %gather3A_137 = tpu.vector_load_idx %arg6[%broadcast_in_dim3A_71, %min3A_136] : memref<128x64xf32, #tpu.memory_space<vmem>>[vector<16xi32>, vector<16xi32>], vector<16xf32>,
      %max3A_138 = arith.maximumf %get3A_131, %get3A_128 : vector<16xf32>
      %max3A_139 = arith.maximumf %get3A_128, %gather3A_137 : vector<16xf32>
      %add3A_140 = arith.addf %max3A_138, %max3A_139 : vector<16xf32>
      %mul3A_141 = arith.constant 5.000000e-01 : f32
      %mul3A_142 = vector.broadcast %mul3A_141 : f32 to vector<16xf32>
      %mul3A_143 = arith.mulf %add3A_140, %mul3A_142 : vector<16xf32>
      %add3A_144 = arith.constant 0.00999999977 : f32
      %add3A_145 = vector.broadcast %add3A_144 : f32 to vector<16xf32>
      %add3A_146 = arith.addf %mul3A_143, %add3A_145 : vector<16xf32>
      %add3A_147 = arith.addf %add3A_89, %add3A_107 : vector<16xf32>
      %add3A_148 = arith.addf %add3A_147, %add3A_125 : vector<16xf32>
      %add3A_149 = arith.addf %add3A_148, %add3A_146 : vector<16xf32>
      %broadcast_in_dim3A_150 = arith.constant true
      %broadcast_in_dim3A_151 = vector.broadcast %broadcast_in_dim3A_150 : i1 to vector<16xi1>
      %masked_cumsum3A = tpu.scan <sum>, %add3A_149 masked %broadcast_in_dim3A_151 : vector<16xf32>, vector<16xi1> -> vector<16xf32>
      %swap3A_152 = arith.constant 0 : i32
      %swap3A_153 = arith.index_cast %swap3A_152 : i32 to index
      %swap3A_154 = arith.constant 0 : index
      %swap3A_155 = tpu.vector_load %arg13[%swap3A_153, %swap3A_154] {strides = array<i32>} : memref<2x16xf32, #tpu.memory_space<vmem>>, vector<16xf32>,
      tpu.vector_store %arg13[%swap3A_153, %swap3A_154], %masked_cumsum3A {strides = array<i32>} : memref<2x16xf32, #tpu.memory_space<vmem>>, vector<16xf32>,
      %gather3A_156 = tpu.vector_load_idx %arg13[%broadcast_in_dim3A_65, %broadcast_in_dim3A_30] : memref<2x16xf32, #tpu.memory_space<vmem>>[vector<16xi32>, vector<16xi32>], vector<16xf32>,
      %div3A = arith.constant 1.290000e+02 : f32
      %div3A_157 = vector.broadcast %div3A : f32 to vector<16xf32>
      %div3A_158 = arith.divf %div3A_157, %gather3A_156 : vector<16xf32>
      %mul3A_159 = arith.constant 144 : i32
      %mul3A_160 = arith.muli %scan3A_70, %mul3A_159 : i32
      %add3A_161 = arith.constant 0 : i32
      %add3A_162 = arith.addi %mul3A_160, %add3A_161 : i32
      %get3A_163 = arith.index_cast %add3A_162 : i32 to index
      %get3A_164 = tpu.vector_load %arg8[%get3A_163] {strides = array<i32>} : memref<18432xf32, #tpu.memory_space<vmem>>, vector<16xf32>,
      %mul3A_165 = arith.mulf %get3A_164, %gather3A_156 : vector<16xf32>
      %swap3A_166 = arith.constant 0 : i32
      %swap3A_167 = arith.index_cast %swap3A_166 : i32 to index
      %swap3A_168 = arith.constant 0 : index
      %swap3A_169 = tpu.vector_load %arg11[%swap3A_167, %swap3A_168] {strides = array<i32>} : memref<2x144xf32, #tpu.memory_space<vmem>>, vector<16xf32>,
      tpu.vector_store %arg11[%swap3A_167, %swap3A_168], %mul3A_165 {strides = array<i32>} : memref<2x144xf32, #tpu.memory_space<vmem>>, vector<16xf32>,
      %mul3A_170 = arith.constant 144 : i32
      %mul3A_171 = arith.muli %scan3A_70, %mul3A_170 : i32
      %add3A_172 = arith.constant 16 : i32
      %add3A_173 = arith.addi %mul3A_171, %add3A_172 : i32
      %get3A_174 = arith.index_cast %add3A_173 : i32 to index
      %get3A_175 = tpu.vector_load %arg8[%get3A_174] {strides = array<i32>} : memref<18432xf32, #tpu.memory_space<vmem>>, vector<16xf32>,
      %mul3A_176 = arith.mulf %get3A_175, %gather3A_156 : vector<16xf32>
      %swap3A_177 = arith.constant 0 : i32
      %swap3A_178 = arith.index_cast %swap3A_177 : i32 to index
      %swap3A_179 = arith.constant 16 : index
      %swap3A_180 = tpu.vector_load %arg11[%swap3A_178, %swap3A_179] {strides = array<i32>} : memref<2x144xf32, #tpu.memory_space<vmem>>, vector<16xf32>,
      tpu.vector_store %arg11[%swap3A_178, %swap3A_179], %mul3A_176 {strides = array<i32>} : memref<2x144xf32, #tpu.memory_space<vmem>>, vector<16xf32>,
      %mul3A_181 = arith.constant 144 : i32
      %mul3A_182 = arith.muli %scan3A_70, %mul3A_181 : i32
      %add3A_183 = arith.constant 32 : i32
      %add3A_184 = arith.addi %mul3A_182, %add3A_183 : i32
      %get3A_185 = arith.index_cast %add3A_184 : i32 to index
      %get3A_186 = tpu.vector_load %arg8[%get3A_185] {strides = array<i32>} : memref<18432xf32, #tpu.memory_space<vmem>>, vector<16xf32>,
      %mul3A_187 = arith.mulf %get3A_186, %gather3A_156 : vector<16xf32>
      %swap3A_188 = arith.constant 0 : i32
      %swap3A_189 = arith.index_cast %swap3A_188 : i32 to index
      %swap3A_190 = arith.constant 32 : index
      %swap3A_191 = tpu.vector_load %arg11[%swap3A_189, %swap3A_190] {strides = array<i32>} : memref<2x144xf32, #tpu.memory_space<vmem>>, vector<16xf32>,
      tpu.vector_store %arg11[%swap3A_189, %swap3A_190], %mul3A_187 {strides = array<i32>} : memref<2x144xf32, #tpu.memory_space<vmem>>, vector<16xf32>,
      %mul3A_192 = arith.constant 144 : i32
      %mul3A_193 = arith.muli %scan3A_70, %mul3A_192 : i32
      %add3A_194 = arith.constant 48 : i32
      %add3A_195 = arith.addi %mul3A_193, %add3A_194 : i32
      %get3A_196 = arith.index_cast %add3A_195 : i32 to index
      %get3A_197 = tpu.vector_load %arg8[%get3A_196] {strides = array<i32>} : memref<18432xf32, #tpu.memory_space<vmem>>, vector<16xf32>,
      %mul3A_198 = arith.mulf %get3A_197, %gather3A_156 : vector<16xf32>
      %swap3A_199 = arith.constant 0 : i32
      %swap3A_200 = arith.index_cast %swap3A_199 : i32 to index
      %swap3A_201 = arith.constant 48 : index
      %swap3A_202 = tpu.vector_load %arg11[%swap3A_200, %swap3A_201] {strides = array<i32>} : memref<2x144xf32, #tpu.memory_space<vmem>>, vector<16xf32>,
      tpu.vector_store %arg11[%swap3A_200, %swap3A_201], %mul3A_198 {strides = array<i32>} : memref<2x144xf32, #tpu.memory_space<vmem>>, vector<16xf32>,
      %mul3A_203 = arith.constant 144 : i32
      %mul3A_204 = arith.muli %scan3A_70, %mul3A_203 : i32
      %add3A_205 = arith.constant 64 : i32
      %add3A_206 = arith.addi %mul3A_204, %add3A_205 : i32
      %get3A_207 = arith.index_cast %add3A_206 : i32 to index
      %get3A_208 = tpu.vector_load %arg8[%get3A_207] {strides = array<i32>} : memref<18432xf32, #tpu.memory_space<vmem>>, vector<16xf32>,
      %mul3A_209 = arith.mulf %get3A_208, %gather3A_156 : vector<16xf32>
      %swap3A_210 = arith.constant 0 : i32
      %swap3A_211 = arith.index_cast %swap3A_210 : i32 to index
      %swap3A_212 = arith.constant 64 : index
      %swap3A_213 = tpu.vector_load %arg11[%swap3A_211, %swap3A_212] {strides = array<i32>} : memref<2x144xf32, #tpu.memory_space<vmem>>, vector<16xf32>,
      tpu.vector_store %arg11[%swap3A_211, %swap3A_212], %mul3A_209 {strides = array<i32>} : memref<2x144xf32, #tpu.memory_space<vmem>>, vector<16xf32>,
      %mul3A_214 = arith.constant 144 : i32
      %mul3A_215 = arith.muli %scan3A_70, %mul3A_214 : i32
      %add3A_216 = arith.constant 80 : i32
      %add3A_217 = arith.addi %mul3A_215, %add3A_216 : i32
      %get3A_218 = arith.index_cast %add3A_217 : i32 to index
      %get3A_219 = tpu.vector_load %arg8[%get3A_218] {strides = array<i32>} : memref<18432xf32, #tpu.memory_space<vmem>>, vector<16xf32>,
      %mul3A_220 = arith.mulf %get3A_219, %gather3A_156 : vector<16xf32>
      %swap3A_221 = arith.constant 0 : i32
      %swap3A_222 = arith.index_cast %swap3A_221 : i32 to index
      %swap3A_223 = arith.constant 80 : index
      %swap3A_224 = tpu.vector_load %arg11[%swap3A_222, %swap3A_223] {strides = array<i32>} : memref<2x144xf32, #tpu.memory_space<vmem>>, vector<16xf32>,
      tpu.vector_store %arg11[%swap3A_222, %swap3A_223], %mul3A_220 {strides = array<i32>} : memref<2x144xf32, #tpu.memory_space<vmem>>, vector<16xf32>,
      %mul3A_225 = arith.constant 144 : i32
      %mul3A_226 = arith.muli %scan3A_70, %mul3A_225 : i32
      %add3A_227 = arith.constant 96 : i32
      %add3A_228 = arith.addi %mul3A_226, %add3A_227 : i32
      %get3A_229 = arith.index_cast %add3A_228 : i32 to index
      %get3A_230 = tpu.vector_load %arg8[%get3A_229] {strides = array<i32>} : memref<18432xf32, #tpu.memory_space<vmem>>, vector<16xf32>,
      %mul3A_231 = arith.mulf %get3A_230, %gather3A_156 : vector<16xf32>
      %swap3A_232 = arith.constant 0 : i32
      %swap3A_233 = arith.index_cast %swap3A_232 : i32 to index
      %swap3A_234 = arith.constant 96 : index
      %swap3A_235 = tpu.vector_load %arg11[%swap3A_233, %swap3A_234] {strides = array<i32>} : memref<2x144xf32, #tpu.memory_space<vmem>>, vector<16xf32>,
      tpu.vector_store %arg11[%swap3A_233, %swap3A_234], %mul3A_231 {strides = array<i32>} : memref<2x144xf32, #tpu.memory_space<vmem>>, vector<16xf32>,
      %mul3A_236 = arith.constant 144 : i32
      %mul3A_237 = arith.muli %scan3A_70, %mul3A_236 : i32
      %add3A_238 = arith.constant 112 : i32
      %add3A_239 = arith.addi %mul3A_237, %add3A_238 : i32
      %get3A_240 = arith.index_cast %add3A_239 : i32 to index
      %get3A_241 = tpu.vector_load %arg8[%get3A_240] {strides = array<i32>} : memref<18432xf32, #tpu.memory_space<vmem>>, vector<16xf32>,
      %mul3A_242 = arith.mulf %get3A_241, %gather3A_156 : vector<16xf32>
      %swap3A_243 = arith.constant 0 : i32
      %swap3A_244 = arith.index_cast %swap3A_243 : i32 to index
      %swap3A_245 = arith.constant 112 : index
      %swap3A_246 = tpu.vector_load %arg11[%swap3A_244, %swap3A_245] {strides = array<i32>} : memref<2x144xf32, #tpu.memory_space<vmem>>, vector<16xf32>,
      tpu.vector_store %arg11[%swap3A_244, %swap3A_245], %mul3A_242 {strides = array<i32>} : memref<2x144xf32, #tpu.memory_space<vmem>>, vector<16xf32>,
      %mul3A_247 = arith.constant 144 : i32
      %mul3A_248 = arith.muli %scan3A_70, %mul3A_247 : i32
      %add3A_249 = arith.constant 128 : i32
      %add3A_250 = arith.addi %mul3A_248, %add3A_249 : i32
      %get3A_251 = arith.index_cast %add3A_250 : i32 to index
      %get3A_252 = tpu.vector_load %arg8[%get3A_251] {strides = array<i32>} : memref<18432xf32, #tpu.memory_space<vmem>>, vector<16xf32>,
      %mul3A_253 = arith.mulf %get3A_252, %gather3A_156 : vector<16xf32>
      %swap3A_254 = arith.constant 0 : i32
      %swap3A_255 = arith.index_cast %swap3A_254 : i32 to index
      %swap3A_256 = arith.constant 128 : index
      %swap3A_257 = tpu.vector_load %arg11[%swap3A_255, %swap3A_256] {strides = array<i32>} : memref<2x144xf32, #tpu.memory_space<vmem>>, vector<16xf32>,
      tpu.vector_store %arg11[%swap3A_255, %swap3A_256], %mul3A_253 {strides = array<i32>} : memref<2x144xf32, #tpu.memory_space<vmem>>, vector<16xf32>,
      %broadcast_in_dim3A_258 = arith.constant 0.000000e+00 : f32
      %broadcast_in_dim3A_259 = vector.broadcast %broadcast_in_dim3A_258 : f32 to vector<16xf32>
      %broadcast_in_dim3A_260 = arith.constant true
      %broadcast_in_dim3A_261 = vector.broadcast %broadcast_in_dim3A_260 : i1 to vector<16xi1>
      %masked_cumsum3A_262 = tpu.scan <sum>, %add3A_89 masked %broadcast_in_dim3A_261 : vector<16xf32>, vector<16xi1> -> vector<16xf32>
      %add3A_263 = arith.addf %masked_cumsum3A_262, %broadcast_in_dim3A_259 : vector<16xf32>
      %swap3A_264 = arith.constant 0 : i32
      %swap3A_265 = arith.index_cast %swap3A_264 : i32 to index
      %swap3A_266 = arith.constant 0 : index
      %swap3A_267 = tpu.vector_load %arg13[%swap3A_265, %swap3A_266] {strides = array<i32>} : memref<2x16xf32, #tpu.memory_space<vmem>>, vector<16xf32>,
      tpu.vector_store %arg13[%swap3A_265, %swap3A_266], %add3A_263 {strides = array<i32>} : memref<2x16xf32, #tpu.memory_space<vmem>>, vector<16xf32>,
      %gather3A_268 = tpu.vector_load_idx %arg13[%broadcast_in_dim3A_65, %broadcast_in_dim3A_30] : memref<2x16xf32, #tpu.memory_space<vmem>>[vector<16xi32>, vector<16xi32>], vector<16xf32>,
      %swap3A_269 = arith.constant 0 : i32
      %swap3A_270 = arith.index_cast %swap3A_269 : i32 to index
      %swap3A_271 = arith.constant 1 : index
      %swap3A_272 = tpu.vector_load %arg10[%swap3A_270, %swap3A_271] {strides = array<i32>} : memref<2x72xf32, #tpu.memory_space<vmem>>, vector<16xf32>,
      tpu.vector_store %arg10[%swap3A_270, %swap3A_271], %add3A_263 {strides = array<i32>} : memref<2x72xf32, #tpu.memory_space<vmem>>, vector<16xf32>,
      %broadcast_in_dim3A_273 = arith.constant true
      %broadcast_in_dim3A_274 = vector.broadcast %broadcast_in_dim3A_273 : i1 to vector<16xi1>
      %masked_cumsum3A_275 = tpu.scan <sum>, %add3A_107 masked %broadcast_in_dim3A_274 : vector<16xf32>, vector<16xi1> -> vector<16xf32>
      %add3A_276 = arith.addf %masked_cumsum3A_275, %gather3A_268 : vector<16xf32>
      %swap3A_277 = arith.constant 0 : i32
      %swap3A_278 = arith.index_cast %swap3A_277 : i32 to index
      %swap3A_279 = arith.constant 0 : index
      %swap3A_280 = tpu.vector_load %arg13[%swap3A_278, %swap3A_279] {strides = array<i32>} : memref<2x16xf32, #tpu.memory_space<vmem>>, vector<16xf32>,
      tpu.vector_store %arg13[%swap3A_278, %swap3A_279], %add3A_276 {strides = array<i32>} : memref<2x16xf32, #tpu.memory_space<vmem>>, vector<16xf32>,
      %gather3A_281 = tpu.vector_load_idx %arg13[%broadcast_in_dim3A_65, %broadcast_in_dim3A_30] : memref<2x16xf32, #tpu.memory_space<vmem>>[vector<16xi32>, vector<16xi32>], vector<16xf32>,
      %swap3A_282 = arith.constant 0 : i32
      %swap3A_283 = arith.index_cast %swap3A_282 : i32 to index
      %swap3A_284 = arith.constant 17 : index
      %swap3A_285 = tpu.vector_load %arg10[%swap3A_283, %swap3A_284] {strides = array<i32>} : memref<2x72xf32, #tpu.memory_space<vmem>>, vector<16xf32>,
      tpu.vector_store %arg10[%swap3A_283, %swap3A_284], %add3A_276 {strides = array<i32>} : memref<2x72xf32, #tpu.memory_space<vmem>>, vector<16xf32>,
      %broadcast_in_dim3A_286 = arith.constant true
      %broadcast_in_dim3A_287 = vector.broadcast %broadcast_in_dim3A_286 : i1 to vector<16xi1>
      %masked_cumsum3A_288 = tpu.scan <sum>, %add3A_125 masked %broadcast_in_dim3A_287 : vector<16xf32>, vector<16xi1> -> vector<16xf32>
      %add3A_289 = arith.addf %masked_cumsum3A_288, %gather3A_281 : vector<16xf32>
      %swap3A_290 = arith.constant 0 : i32
      %swap3A_291 = arith.index_cast %swap3A_290 : i32 to index
      %swap3A_292 = arith.constant 0 : index
      %swap3A_293 = tpu.vector_load %arg13[%swap3A_291, %swap3A_292] {strides = array<i32>} : memref<2x16xf32, #tpu.memory_space<vmem>>, vector<16xf32>,
      tpu.vector_store %arg13[%swap3A_291, %swap3A_292], %add3A_289 {strides = array<i32>} : memref<2x16xf32, #tpu.memory_space<vmem>>, vector<16xf32>,
      %gather3A_294 = tpu.vector_load_idx %arg13[%broadcast_in_dim3A_65, %broadcast_in_dim3A_30] : memref<2x16xf32, #tpu.memory_space<vmem>>[vector<16xi32>, vector<16xi32>], vector<16xf32>,
      %swap3A_295 = arith.constant 0 : i32
      %swap3A_296 = arith.index_cast %swap3A_295 : i32 to index
      %swap3A_297 = arith.constant 33 : index
      %swap3A_298 = tpu.vector_load %arg10[%swap3A_296, %swap3A_297] {strides = array<i32>} : memref<2x72xf32, #tpu.memory_space<vmem>>, vector<16xf32>,
      tpu.vector_store %arg10[%swap3A_296, %swap3A_297], %add3A_289 {strides = array<i32>} : memref<2x72xf32, #tpu.memory_space<vmem>>, vector<16xf32>,
      %broadcast_in_dim3A_299 = arith.constant true
      %broadcast_in_dim3A_300 = vector.broadcast %broadcast_in_dim3A_299 : i1 to vector<16xi1>
      %masked_cumsum3A_301 = tpu.scan <sum>, %add3A_146 masked %broadcast_in_dim3A_300 : vector<16xf32>, vector<16xi1> -> vector<16xf32>
      %add3A_302 = arith.addf %masked_cumsum3A_301, %gather3A_294 : vector<16xf32>
      %swap3A_303 = arith.constant 0 : i32
      %swap3A_304 = arith.index_cast %swap3A_303 : i32 to index
      %swap3A_305 = arith.constant 0 : index
      %swap3A_306 = tpu.vector_load %arg13[%swap3A_304, %swap3A_305] {strides = array<i32>} : memref<2x16xf32, #tpu.memory_space<vmem>>, vector<16xf32>,
      tpu.vector_store %arg13[%swap3A_304, %swap3A_305], %add3A_302 {strides = array<i32>} : memref<2x16xf32, #tpu.memory_space<vmem>>, vector<16xf32>,
      %gather3A_307 = tpu.vector_load_idx %arg13[%broadcast_in_dim3A_65, %broadcast_in_dim3A_30] : memref<2x16xf32, #tpu.memory_space<vmem>>[vector<16xi32>, vector<16xi32>], vector<16xf32>,
      %swap3A_308 = arith.constant 0 : i32
      %swap3A_309 = arith.index_cast %swap3A_308 : i32 to index
      %swap3A_310 = arith.constant 49 : index
      %swap3A_311 = tpu.vector_load %arg10[%swap3A_309, %swap3A_310] {strides = array<i32>} : memref<2x72xf32, #tpu.memory_space<vmem>>, vector<16xf32>,
      tpu.vector_store %arg10[%swap3A_309, %swap3A_310], %add3A_302 {strides = array<i32>} : memref<2x72xf32, #tpu.memory_space<vmem>>, vector<16xf32>,
      tpu.vector_store_idx %arg10[%broadcast_in_dim3A_65, %broadcast_in_dim3A_28], %gather3A_156 masked %eq3A_32 : memref<2x72xf32, #tpu.memory_space<vmem>>[vector<16xi32>, vector<16xi32>], vector<16xf32>, vector<16xi1>
      %swap3A_312 = arith.constant 0 : i32
      %swap3A_313 = arith.index_cast %swap3A_312 : i32 to index
      %swap3A_314 = arith.constant 0 : index
      %swap3A_315 = tpu.vector_load %arg12[%swap3A_313, %swap3A_314] {strides = array<i32>} : memref<2x160xi32, #tpu.memory_space<vmem>>, vector<16xi32>,
      tpu.vector_store %arg12[%swap3A_313, %swap3A_314], %broadcast_in_dim3A_34 {strides = array<i32>} : memref<2x160xi32, #tpu.memory_space<vmem>>, vector<16xi32>,
      %swap3A_316 = arith.constant 0 : i32
      %swap3A_317 = arith.index_cast %swap3A_316 : i32 to index
      %swap3A_318 = arith.constant 16 : index
      %swap3A_319 = tpu.vector_load %arg12[%swap3A_317, %swap3A_318] {strides = array<i32>} : memref<2x160xi32, #tpu.memory_space<vmem>>, vector<16xi32>,
      tpu.vector_store %arg12[%swap3A_317, %swap3A_318], %broadcast_in_dim3A_34 {strides = array<i32>} : memref<2x160xi32, #tpu.memory_space<vmem>>, vector<16xi32>,
      %swap3A_320 = arith.constant 0 : i32
      %swap3A_321 = arith.index_cast %swap3A_320 : i32 to index
      %swap3A_322 = arith.constant 32 : index
      %swap3A_323 = tpu.vector_load %arg12[%swap3A_321, %swap3A_322] {strides = array<i32>} : memref<2x160xi32, #tpu.memory_space<vmem>>, vector<16xi32>,
      tpu.vector_store %arg12[%swap3A_321, %swap3A_322], %broadcast_in_dim3A_34 {strides = array<i32>} : memref<2x160xi32, #tpu.memory_space<vmem>>, vector<16xi32>,
      %swap3A_324 = arith.constant 0 : i32
      %swap3A_325 = arith.index_cast %swap3A_324 : i32 to index
      %swap3A_326 = arith.constant 48 : index
      %swap3A_327 = tpu.vector_load %arg12[%swap3A_325, %swap3A_326] {strides = array<i32>} : memref<2x160xi32, #tpu.memory_space<vmem>>, vector<16xi32>,
      tpu.vector_store %arg12[%swap3A_325, %swap3A_326], %broadcast_in_dim3A_34 {strides = array<i32>} : memref<2x160xi32, #tpu.memory_space<vmem>>, vector<16xi32>,
      %swap3A_328 = arith.constant 0 : i32
      %swap3A_329 = arith.index_cast %swap3A_328 : i32 to index
      %swap3A_330 = arith.constant 64 : index
      %swap3A_331 = tpu.vector_load %arg12[%swap3A_329, %swap3A_330] {strides = array<i32>} : memref<2x160xi32, #tpu.memory_space<vmem>>, vector<16xi32>,
      tpu.vector_store %arg12[%swap3A_329, %swap3A_330], %broadcast_in_dim3A_34 {strides = array<i32>} : memref<2x160xi32, #tpu.memory_space<vmem>>, vector<16xi32>,
      %swap3A_332 = arith.constant 0 : i32
      %swap3A_333 = arith.index_cast %swap3A_332 : i32 to index
      %swap3A_334 = arith.constant 80 : index
      %swap3A_335 = tpu.vector_load %arg12[%swap3A_333, %swap3A_334] {strides = array<i32>} : memref<2x160xi32, #tpu.memory_space<vmem>>, vector<16xi32>,
      tpu.vector_store %arg12[%swap3A_333, %swap3A_334], %broadcast_in_dim3A_34 {strides = array<i32>} : memref<2x160xi32, #tpu.memory_space<vmem>>, vector<16xi32>,
      %swap3A_336 = arith.constant 0 : i32
      %swap3A_337 = arith.index_cast %swap3A_336 : i32 to index
      %swap3A_338 = arith.constant 96 : index
      %swap3A_339 = tpu.vector_load %arg12[%swap3A_337, %swap3A_338] {strides = array<i32>} : memref<2x160xi32, #tpu.memory_space<vmem>>, vector<16xi32>,
      tpu.vector_store %arg12[%swap3A_337, %swap3A_338], %broadcast_in_dim3A_34 {strides = array<i32>} : memref<2x160xi32, #tpu.memory_space<vmem>>, vector<16xi32>,
      %swap3A_340 = arith.constant 0 : i32
      %swap3A_341 = arith.index_cast %swap3A_340 : i32 to index
      %swap3A_342 = arith.constant 112 : index
      %swap3A_343 = tpu.vector_load %arg12[%swap3A_341, %swap3A_342] {strides = array<i32>} : memref<2x160xi32, #tpu.memory_space<vmem>>, vector<16xi32>,
      tpu.vector_store %arg12[%swap3A_341, %swap3A_342], %broadcast_in_dim3A_34 {strides = array<i32>} : memref<2x160xi32, #tpu.memory_space<vmem>>, vector<16xi32>,
      %swap3A_344 = arith.constant 0 : i32
      %swap3A_345 = arith.index_cast %swap3A_344 : i32 to index
      %swap3A_346 = arith.constant 128 : index
      %swap3A_347 = tpu.vector_load %arg12[%swap3A_345, %swap3A_346] {strides = array<i32>} : memref<2x160xi32, #tpu.memory_space<vmem>>, vector<16xi32>,
      tpu.vector_store %arg12[%swap3A_345, %swap3A_346], %broadcast_in_dim3A_34 {strides = array<i32>} : memref<2x160xi32, #tpu.memory_space<vmem>>, vector<16xi32>,
      %swap3A_348 = arith.constant 0 : i32
      %swap3A_349 = arith.index_cast %swap3A_348 : i32 to index
      %swap3A_350 = arith.constant 144 : index
      %swap3A_351 = tpu.vector_load %arg12[%swap3A_349, %swap3A_350] {strides = array<i32>} : memref<2x160xi32, #tpu.memory_space<vmem>>, vector<16xi32>,
      tpu.vector_store %arg12[%swap3A_349, %swap3A_350], %broadcast_in_dim3A_34 {strides = array<i32>} : memref<2x160xi32, #tpu.memory_space<vmem>>, vector<16xi32>,
      %mul3A_352 = arith.mulf %add3A_263, %div3A_158 : vector<16xf32>
      %convert_element_type3A = arith.fptosi %mul3A_352 : vector<16xf32> to vector<16xi32>
      %sub3A_353 = arith.constant 1 : i32
      %sub3A_354 = vector.broadcast %sub3A_353 : i32 to vector<16xi32>
      %sub3A_355 = arith.subi %convert_element_type3A, %sub3A_354 : vector<16xi32>
      %max3A_356 = arith.constant 0 : i32
      %max3A_357 = vector.broadcast %max3A_356 : i32 to vector<16xi32>
      %max3A_358 = arith.maxsi %sub3A_355, %max3A_357 : vector<16xi32>
      %add3A_359 = arith.constant 0 : i32
      %add3A_360 = vector.broadcast %add3A_359 : i32 to vector<16xi32>
      %add3A_361 = arith.addi %max3A_358, %add3A_360 : vector<16xi32>
      %min3A_362 = arith.constant 128 : i32
      %min3A_363 = vector.broadcast %min3A_362 : i32 to vector<16xi32>
      %min3A_364 = arith.minsi %add3A_361, %min3A_363 : vector<16xi32>
      %gather3A_365 = tpu.vector_load_idx %arg11[%broadcast_in_dim3A_65, %min3A_364] : memref<2x144xf32, #tpu.memory_space<vmem>>[vector<16xi32>, vector<16xi32>], vector<16xf32>,
      %lt3A = arith.cmpf olt, %gather3A_365, %add3A_263 : vector<16xf32>
      %le3A = arith.constant 128 : i32
      %le3A_366 = vector.broadcast %le3A : i32 to vector<16xi32>
      %le3A_367 = arith.cmpi sle, %add3A_361, %le3A_366 : vector<16xi32>
      %and3A = arith.andi %lt3A, %le3A_367 : vector<16xi1>
      %jit3A = arith.constant 1 : i32
      %jit3A_368 = arith.constant 0 : i32
      %broadcast_in_dim3A_369 = vector.broadcast %jit3A : i32 to vector<16xi32>
      %broadcast_in_dim3A_370 = vector.broadcast %jit3A_368 : i32 to vector<16xi32>
      %select_n3A = arith.select %and3A, %broadcast_in_dim3A_369, %broadcast_in_dim3A_370 : vector<16xi1>, vector<16xi32>
      %add3A_371 = arith.addi %max3A_358, %select_n3A : vector<16xi32>
      %add3A_372 = arith.constant 1 : i32
      %add3A_373 = vector.broadcast %add3A_372 : i32 to vector<16xi32>
      %add3A_374 = arith.addi %max3A_358, %add3A_373 : vector<16xi32>
      %min3A_375 = arith.constant 128 : i32
      %min3A_376 = vector.broadcast %min3A_375 : i32 to vector<16xi32>
      %min3A_377 = arith.minsi %add3A_374, %min3A_376 : vector<16xi32>
      %gather3A_378 = tpu.vector_load_idx %arg11[%broadcast_in_dim3A_65, %min3A_377] : memref<2x144xf32, #tpu.memory_space<vmem>>[vector<16xi32>, vector<16xi32>], vector<16xf32>,
      %lt3A_379 = arith.cmpf olt, %gather3A_378, %add3A_263 : vector<16xf32>
      %le3A_380 = arith.constant 128 : i32
      %le3A_381 = vector.broadcast %le3A_380 : i32 to vector<16xi32>
      %le3A_382 = arith.cmpi sle, %add3A_374, %le3A_381 : vector<16xi32>
      %and3A_383 = arith.andi %lt3A_379, %le3A_382 : vector<16xi1>
      %jit3A_384 = arith.constant 1 : i32
      %jit3A_385 = arith.constant 0 : i32
      %broadcast_in_dim3A_386 = vector.broadcast %jit3A_384 : i32 to vector<16xi32>
      %broadcast_in_dim3A_387 = vector.broadcast %jit3A_385 : i32 to vector<16xi32>
      %select_n3A_388 = arith.select %and3A_383, %broadcast_in_dim3A_386, %broadcast_in_dim3A_387 : vector<16xi1>, vector<16xi32>
      %add3A_389 = arith.addi %add3A_371, %select_n3A_388 : vector<16xi32>
      %add3A_390 = arith.constant 2 : i32
      %add3A_391 = vector.broadcast %add3A_390 : i32 to vector<16xi32>
      %add3A_392 = arith.addi %max3A_358, %add3A_391 : vector<16xi32>
      %min3A_393 = arith.constant 128 : i32
      %min3A_394 = vector.broadcast %min3A_393 : i32 to vector<16xi32>
      %min3A_395 = arith.minsi %add3A_392, %min3A_394 : vector<16xi32>
      %gather3A_396 = tpu.vector_load_idx %arg11[%broadcast_in_dim3A_65, %min3A_395] : memref<2x144xf32, #tpu.memory_space<vmem>>[vector<16xi32>, vector<16xi32>], vector<16xf32>,
      %lt3A_397 = arith.cmpf olt, %gather3A_396, %add3A_263 : vector<16xf32>
      %le3A_398 = arith.constant 128 : i32
      %le3A_399 = vector.broadcast %le3A_398 : i32 to vector<16xi32>
      %le3A_400 = arith.cmpi sle, %add3A_392, %le3A_399 : vector<16xi32>
      %and3A_401 = arith.andi %lt3A_397, %le3A_400 : vector<16xi1>
      %jit3A_402 = arith.constant 1 : i32
      %jit3A_403 = arith.constant 0 : i32
      %broadcast_in_dim3A_404 = vector.broadcast %jit3A_402 : i32 to vector<16xi32>
      %broadcast_in_dim3A_405 = vector.broadcast %jit3A_403 : i32 to vector<16xi32>
      %select_n3A_406 = arith.select %and3A_401, %broadcast_in_dim3A_404, %broadcast_in_dim3A_405 : vector<16xi1>, vector<16xi32>
      %add3A_407 = arith.addi %add3A_389, %select_n3A_406 : vector<16xi32>
      tpu.vector_store_idx %arg12[%broadcast_in_dim3A_65, %add3A_407], %broadcast_in_dim3A_36 {add = true} : memref<2x160xi32, #tpu.memory_space<vmem>>[vector<16xi32>, vector<16xi32>], vector<16xi32>,
      %shift_right_arithmetic3A = arith.constant 4 : i32
      %shift_right_arithmetic3A_408 = vector.broadcast %shift_right_arithmetic3A : i32 to vector<16xi32>
      %shift_right_arithmetic3A_409 = arith.shrsi %add3A_407, %shift_right_arithmetic3A_408 : vector<16xi32>
      %add3A_410 = arith.constant 1 : i32
      %add3A_411 = vector.broadcast %add3A_410 : i32 to vector<16xi32>
      %add3A_412 = arith.addi %shift_right_arithmetic3A_409, %add3A_411 : vector<16xi32>
      %add3A_413 = arith.constant 144 : i32
      %add3A_414 = vector.broadcast %add3A_413 : i32 to vector<16xi32>
      %add3A_415 = arith.addi %add3A_412, %add3A_414 : vector<16xi32>
      tpu.vector_store_idx %arg12[%broadcast_in_dim3A_65, %add3A_415], %broadcast_in_dim3A_36 {add = true} : memref<2x160xi32, #tpu.memory_space<vmem>>[vector<16xi32>, vector<16xi32>], vector<16xi32>,
      %mul3A_416 = arith.mulf %add3A_276, %div3A_158 : vector<16xf32>
      %convert_element_type3A_417 = arith.fptosi %mul3A_416 : vector<16xf32> to vector<16xi32>
      %sub3A_418 = arith.constant 1 : i32
      %sub3A_419 = vector.broadcast %sub3A_418 : i32 to vector<16xi32>
      %sub3A_420 = arith.subi %convert_element_type3A_417, %sub3A_419 : vector<16xi32>
      %max3A_421 = arith.constant 0 : i32
      %max3A_422 = vector.broadcast %max3A_421 : i32 to vector<16xi32>
      %max3A_423 = arith.maxsi %sub3A_420, %max3A_422 : vector<16xi32>
      %add3A_424 = arith.constant 0 : i32
      %add3A_425 = vector.broadcast %add3A_424 : i32 to vector<16xi32>
      %add3A_426 = arith.addi %max3A_423, %add3A_425 : vector<16xi32>
      %min3A_427 = arith.constant 128 : i32
      %min3A_428 = vector.broadcast %min3A_427 : i32 to vector<16xi32>
      %min3A_429 = arith.minsi %add3A_426, %min3A_428 : vector<16xi32>
      %gather3A_430 = tpu.vector_load_idx %arg11[%broadcast_in_dim3A_65, %min3A_429] : memref<2x144xf32, #tpu.memory_space<vmem>>[vector<16xi32>, vector<16xi32>], vector<16xf32>,
      %lt3A_431 = arith.cmpf olt, %gather3A_430, %add3A_276 : vector<16xf32>
      %le3A_432 = arith.constant 128 : i32
      %le3A_433 = vector.broadcast %le3A_432 : i32 to vector<16xi32>
      %le3A_434 = arith.cmpi sle, %add3A_426, %le3A_433 : vector<16xi32>
      %and3A_435 = arith.andi %lt3A_431, %le3A_434 : vector<16xi1>
      %jit3A_436 = arith.constant 1 : i32
      %jit3A_437 = arith.constant 0 : i32
      %broadcast_in_dim3A_438 = vector.broadcast %jit3A_436 : i32 to vector<16xi32>
      %broadcast_in_dim3A_439 = vector.broadcast %jit3A_437 : i32 to vector<16xi32>
      %select_n3A_440 = arith.select %and3A_435, %broadcast_in_dim3A_438, %broadcast_in_dim3A_439 : vector<16xi1>, vector<16xi32>
      %add3A_441 = arith.addi %max3A_423, %select_n3A_440 : vector<16xi32>
      %add3A_442 = arith.constant 1 : i32
      %add3A_443 = vector.broadcast %add3A_442 : i32 to vector<16xi32>
      %add3A_444 = arith.addi %max3A_423, %add3A_443 : vector<16xi32>
      %min3A_445 = arith.constant 128 : i32
      %min3A_446 = vector.broadcast %min3A_445 : i32 to vector<16xi32>
      %min3A_447 = arith.minsi %add3A_444, %min3A_446 : vector<16xi32>
      %gather3A_448 = tpu.vector_load_idx %arg11[%broadcast_in_dim3A_65, %min3A_447] : memref<2x144xf32, #tpu.memory_space<vmem>>[vector<16xi32>, vector<16xi32>], vector<16xf32>,
      %lt3A_449 = arith.cmpf olt, %gather3A_448, %add3A_276 : vector<16xf32>
      %le3A_450 = arith.constant 128 : i32
      %le3A_451 = vector.broadcast %le3A_450 : i32 to vector<16xi32>
      %le3A_452 = arith.cmpi sle, %add3A_444, %le3A_451 : vector<16xi32>
      %and3A_453 = arith.andi %lt3A_449, %le3A_452 : vector<16xi1>
      %jit3A_454 = arith.constant 1 : i32
      %jit3A_455 = arith.constant 0 : i32
      %broadcast_in_dim3A_456 = vector.broadcast %jit3A_454 : i32 to vector<16xi32>
      %broadcast_in_dim3A_457 = vector.broadcast %jit3A_455 : i32 to vector<16xi32>
      %select_n3A_458 = arith.select %and3A_453, %broadcast_in_dim3A_456, %broadcast_in_dim3A_457 : vector<16xi1>, vector<16xi32>
      %add3A_459 = arith.addi %add3A_441, %select_n3A_458 : vector<16xi32>
      %add3A_460 = arith.constant 2 : i32
      %add3A_461 = vector.broadcast %add3A_460 : i32 to vector<16xi32>
      %add3A_462 = arith.addi %max3A_423, %add3A_461 : vector<16xi32>
      %min3A_463 = arith.constant 128 : i32
      %min3A_464 = vector.broadcast %min3A_463 : i32 to vector<16xi32>
      %min3A_465 = arith.minsi %add3A_462, %min3A_464 : vector<16xi32>
      %gather3A_466 = tpu.vector_load_idx %arg11[%broadcast_in_dim3A_65, %min3A_465] : memref<2x144xf32, #tpu.memory_space<vmem>>[vector<16xi32>, vector<16xi32>], vector<16xf32>,
      %lt3A_467 = arith.cmpf olt, %gather3A_466, %add3A_276 : vector<16xf32>
      %le3A_468 = arith.constant 128 : i32
      %le3A_469 = vector.broadcast %le3A_468 : i32 to vector<16xi32>
      %le3A_470 = arith.cmpi sle, %add3A_462, %le3A_469 : vector<16xi32>
      %and3A_471 = arith.andi %lt3A_467, %le3A_470 : vector<16xi1>
      %jit3A_472 = arith.constant 1 : i32
      %jit3A_473 = arith.constant 0 : i32
      %broadcast_in_dim3A_474 = vector.broadcast %jit3A_472 : i32 to vector<16xi32>
      %broadcast_in_dim3A_475 = vector.broadcast %jit3A_473 : i32 to vector<16xi32>
      %select_n3A_476 = arith.select %and3A_471, %broadcast_in_dim3A_474, %broadcast_in_dim3A_475 : vector<16xi1>, vector<16xi32>
      %add3A_477 = arith.addi %add3A_459, %select_n3A_476 : vector<16xi32>
      tpu.vector_store_idx %arg12[%broadcast_in_dim3A_65, %add3A_477], %broadcast_in_dim3A_36 {add = true} : memref<2x160xi32, #tpu.memory_space<vmem>>[vector<16xi32>, vector<16xi32>], vector<16xi32>,
      %shift_right_arithmetic3A_478 = arith.constant 4 : i32
      %shift_right_arithmetic3A_479 = vector.broadcast %shift_right_arithmetic3A_478 : i32 to vector<16xi32>
      %shift_right_arithmetic3A_480 = arith.shrsi %add3A_477, %shift_right_arithmetic3A_479 : vector<16xi32>
      %add3A_481 = arith.constant 1 : i32
      %add3A_482 = vector.broadcast %add3A_481 : i32 to vector<16xi32>
      %add3A_483 = arith.addi %shift_right_arithmetic3A_480, %add3A_482 : vector<16xi32>
      %add3A_484 = arith.constant 144 : i32
      %add3A_485 = vector.broadcast %add3A_484 : i32 to vector<16xi32>
      %add3A_486 = arith.addi %add3A_483, %add3A_485 : vector<16xi32>
      tpu.vector_store_idx %arg12[%broadcast_in_dim3A_65, %add3A_486], %broadcast_in_dim3A_36 {add = true} : memref<2x160xi32, #tpu.memory_space<vmem>>[vector<16xi32>, vector<16xi32>], vector<16xi32>,
      %mul3A_487 = arith.mulf %add3A_289, %div3A_158 : vector<16xf32>
      %convert_element_type3A_488 = arith.fptosi %mul3A_487 : vector<16xf32> to vector<16xi32>
      %sub3A_489 = arith.constant 1 : i32
      %sub3A_490 = vector.broadcast %sub3A_489 : i32 to vector<16xi32>
      %sub3A_491 = arith.subi %convert_element_type3A_488, %sub3A_490 : vector<16xi32>
      %max3A_492 = arith.constant 0 : i32
      %max3A_493 = vector.broadcast %max3A_492 : i32 to vector<16xi32>
      %max3A_494 = arith.maxsi %sub3A_491, %max3A_493 : vector<16xi32>
      %add3A_495 = arith.constant 0 : i32
      %add3A_496 = vector.broadcast %add3A_495 : i32 to vector<16xi32>
      %add3A_497 = arith.addi %max3A_494, %add3A_496 : vector<16xi32>
      %min3A_498 = arith.constant 128 : i32
      %min3A_499 = vector.broadcast %min3A_498 : i32 to vector<16xi32>
      %min3A_500 = arith.minsi %add3A_497, %min3A_499 : vector<16xi32>
      %gather3A_501 = tpu.vector_load_idx %arg11[%broadcast_in_dim3A_65, %min3A_500] : memref<2x144xf32, #tpu.memory_space<vmem>>[vector<16xi32>, vector<16xi32>], vector<16xf32>,
      %lt3A_502 = arith.cmpf olt, %gather3A_501, %add3A_289 : vector<16xf32>
      %le3A_503 = arith.constant 128 : i32
      %le3A_504 = vector.broadcast %le3A_503 : i32 to vector<16xi32>
      %le3A_505 = arith.cmpi sle, %add3A_497, %le3A_504 : vector<16xi32>
      %and3A_506 = arith.andi %lt3A_502, %le3A_505 : vector<16xi1>
      %jit3A_507 = arith.constant 1 : i32
      %jit3A_508 = arith.constant 0 : i32
      %broadcast_in_dim3A_509 = vector.broadcast %jit3A_507 : i32 to vector<16xi32>
      %broadcast_in_dim3A_510 = vector.broadcast %jit3A_508 : i32 to vector<16xi32>
      %select_n3A_511 = arith.select %and3A_506, %broadcast_in_dim3A_509, %broadcast_in_dim3A_510 : vector<16xi1>, vector<16xi32>
      %add3A_512 = arith.addi %max3A_494, %select_n3A_511 : vector<16xi32>
      %add3A_513 = arith.constant 1 : i32
      %add3A_514 = vector.broadcast %add3A_513 : i32 to vector<16xi32>
      %add3A_515 = arith.addi %max3A_494, %add3A_514 : vector<16xi32>
      %min3A_516 = arith.constant 128 : i32
      %min3A_517 = vector.broadcast %min3A_516 : i32 to vector<16xi32>
      %min3A_518 = arith.minsi %add3A_515, %min3A_517 : vector<16xi32>
      %gather3A_519 = tpu.vector_load_idx %arg11[%broadcast_in_dim3A_65, %min3A_518] : memref<2x144xf32, #tpu.memory_space<vmem>>[vector<16xi32>, vector<16xi32>], vector<16xf32>,
      %lt3A_520 = arith.cmpf olt, %gather3A_519, %add3A_289 : vector<16xf32>
      %le3A_521 = arith.constant 128 : i32
      %le3A_522 = vector.broadcast %le3A_521 : i32 to vector<16xi32>
      %le3A_523 = arith.cmpi sle, %add3A_515, %le3A_522 : vector<16xi32>
      %and3A_524 = arith.andi %lt3A_520, %le3A_523 : vector<16xi1>
      %jit3A_525 = arith.constant 1 : i32
      %jit3A_526 = arith.constant 0 : i32
      %broadcast_in_dim3A_527 = vector.broadcast %jit3A_525 : i32 to vector<16xi32>
      %broadcast_in_dim3A_528 = vector.broadcast %jit3A_526 : i32 to vector<16xi32>
      %select_n3A_529 = arith.select %and3A_524, %broadcast_in_dim3A_527, %broadcast_in_dim3A_528 : vector<16xi1>, vector<16xi32>
      %add3A_530 = arith.addi %add3A_512, %select_n3A_529 : vector<16xi32>
      %add3A_531 = arith.constant 2 : i32
      %add3A_532 = vector.broadcast %add3A_531 : i32 to vector<16xi32>
      %add3A_533 = arith.addi %max3A_494, %add3A_532 : vector<16xi32>
      %min3A_534 = arith.constant 128 : i32
      %min3A_535 = vector.broadcast %min3A_534 : i32 to vector<16xi32>
      %min3A_536 = arith.minsi %add3A_533, %min3A_535 : vector<16xi32>
      %gather3A_537 = tpu.vector_load_idx %arg11[%broadcast_in_dim3A_65, %min3A_536] : memref<2x144xf32, #tpu.memory_space<vmem>>[vector<16xi32>, vector<16xi32>], vector<16xf32>,
      %lt3A_538 = arith.cmpf olt, %gather3A_537, %add3A_289 : vector<16xf32>
      %le3A_539 = arith.constant 128 : i32
      %le3A_540 = vector.broadcast %le3A_539 : i32 to vector<16xi32>
      %le3A_541 = arith.cmpi sle, %add3A_533, %le3A_540 : vector<16xi32>
      %and3A_542 = arith.andi %lt3A_538, %le3A_541 : vector<16xi1>
      %jit3A_543 = arith.constant 1 : i32
      %jit3A_544 = arith.constant 0 : i32
      %broadcast_in_dim3A_545 = vector.broadcast %jit3A_543 : i32 to vector<16xi32>
      %broadcast_in_dim3A_546 = vector.broadcast %jit3A_544 : i32 to vector<16xi32>
      %select_n3A_547 = arith.select %and3A_542, %broadcast_in_dim3A_545, %broadcast_in_dim3A_546 : vector<16xi1>, vector<16xi32>
      %add3A_548 = arith.addi %add3A_530, %select_n3A_547 : vector<16xi32>
      tpu.vector_store_idx %arg12[%broadcast_in_dim3A_65, %add3A_548], %broadcast_in_dim3A_36 {add = true} : memref<2x160xi32, #tpu.memory_space<vmem>>[vector<16xi32>, vector<16xi32>], vector<16xi32>,
      %shift_right_arithmetic3A_549 = arith.constant 4 : i32
      %shift_right_arithmetic3A_550 = vector.broadcast %shift_right_arithmetic3A_549 : i32 to vector<16xi32>
      %shift_right_arithmetic3A_551 = arith.shrsi %add3A_548, %shift_right_arithmetic3A_550 : vector<16xi32>
      %add3A_552 = arith.constant 1 : i32
      %add3A_553 = vector.broadcast %add3A_552 : i32 to vector<16xi32>
      %add3A_554 = arith.addi %shift_right_arithmetic3A_551, %add3A_553 : vector<16xi32>
      %add3A_555 = arith.constant 144 : i32
      %add3A_556 = vector.broadcast %add3A_555 : i32 to vector<16xi32>
      %add3A_557 = arith.addi %add3A_554, %add3A_556 : vector<16xi32>
      tpu.vector_store_idx %arg12[%broadcast_in_dim3A_65, %add3A_557], %broadcast_in_dim3A_36 {add = true} : memref<2x160xi32, #tpu.memory_space<vmem>>[vector<16xi32>, vector<16xi32>], vector<16xi32>,
      %mul3A_558 = arith.mulf %add3A_302, %div3A_158 : vector<16xf32>
      %convert_element_type3A_559 = arith.fptosi %mul3A_558 : vector<16xf32> to vector<16xi32>
      %sub3A_560 = arith.constant 1 : i32
      %sub3A_561 = vector.broadcast %sub3A_560 : i32 to vector<16xi32>
      %sub3A_562 = arith.subi %convert_element_type3A_559, %sub3A_561 : vector<16xi32>
      %max3A_563 = arith.constant 0 : i32
      %max3A_564 = vector.broadcast %max3A_563 : i32 to vector<16xi32>
      %max3A_565 = arith.maxsi %sub3A_562, %max3A_564 : vector<16xi32>
      %add3A_566 = arith.constant 0 : i32
      %add3A_567 = vector.broadcast %add3A_566 : i32 to vector<16xi32>
      %add3A_568 = arith.addi %max3A_565, %add3A_567 : vector<16xi32>
      %min3A_569 = arith.constant 128 : i32
      %min3A_570 = vector.broadcast %min3A_569 : i32 to vector<16xi32>
      %min3A_571 = arith.minsi %add3A_568, %min3A_570 : vector<16xi32>
      %gather3A_572 = tpu.vector_load_idx %arg11[%broadcast_in_dim3A_65, %min3A_571] : memref<2x144xf32, #tpu.memory_space<vmem>>[vector<16xi32>, vector<16xi32>], vector<16xf32>,
      %lt3A_573 = arith.cmpf olt, %gather3A_572, %add3A_302 : vector<16xf32>
      %le3A_574 = arith.constant 128 : i32
      %le3A_575 = vector.broadcast %le3A_574 : i32 to vector<16xi32>
      %le3A_576 = arith.cmpi sle, %add3A_568, %le3A_575 : vector<16xi32>
      %and3A_577 = arith.andi %lt3A_573, %le3A_576 : vector<16xi1>
      %jit3A_578 = arith.constant 1 : i32
      %jit3A_579 = arith.constant 0 : i32
      %broadcast_in_dim3A_580 = vector.broadcast %jit3A_578 : i32 to vector<16xi32>
      %broadcast_in_dim3A_581 = vector.broadcast %jit3A_579 : i32 to vector<16xi32>
      %select_n3A_582 = arith.select %and3A_577, %broadcast_in_dim3A_580, %broadcast_in_dim3A_581 : vector<16xi1>, vector<16xi32>
      %add3A_583 = arith.addi %max3A_565, %select_n3A_582 : vector<16xi32>
      %add3A_584 = arith.constant 1 : i32
      %add3A_585 = vector.broadcast %add3A_584 : i32 to vector<16xi32>
      %add3A_586 = arith.addi %max3A_565, %add3A_585 : vector<16xi32>
      %min3A_587 = arith.constant 128 : i32
      %min3A_588 = vector.broadcast %min3A_587 : i32 to vector<16xi32>
      %min3A_589 = arith.minsi %add3A_586, %min3A_588 : vector<16xi32>
      %gather3A_590 = tpu.vector_load_idx %arg11[%broadcast_in_dim3A_65, %min3A_589] : memref<2x144xf32, #tpu.memory_space<vmem>>[vector<16xi32>, vector<16xi32>], vector<16xf32>,
      %lt3A_591 = arith.cmpf olt, %gather3A_590, %add3A_302 : vector<16xf32>
      %le3A_592 = arith.constant 128 : i32
      %le3A_593 = vector.broadcast %le3A_592 : i32 to vector<16xi32>
      %le3A_594 = arith.cmpi sle, %add3A_586, %le3A_593 : vector<16xi32>
      %and3A_595 = arith.andi %lt3A_591, %le3A_594 : vector<16xi1>
      %jit3A_596 = arith.constant 1 : i32
      %jit3A_597 = arith.constant 0 : i32
      %broadcast_in_dim3A_598 = vector.broadcast %jit3A_596 : i32 to vector<16xi32>
      %broadcast_in_dim3A_599 = vector.broadcast %jit3A_597 : i32 to vector<16xi32>
      %select_n3A_600 = arith.select %and3A_595, %broadcast_in_dim3A_598, %broadcast_in_dim3A_599 : vector<16xi1>, vector<16xi32>
      %add3A_601 = arith.addi %add3A_583, %select_n3A_600 : vector<16xi32>
      %add3A_602 = arith.constant 2 : i32
      %add3A_603 = vector.broadcast %add3A_602 : i32 to vector<16xi32>
      %add3A_604 = arith.addi %max3A_565, %add3A_603 : vector<16xi32>
      %min3A_605 = arith.constant 128 : i32
      %min3A_606 = vector.broadcast %min3A_605 : i32 to vector<16xi32>
      %min3A_607 = arith.minsi %add3A_604, %min3A_606 : vector<16xi32>
      %gather3A_608 = tpu.vector_load_idx %arg11[%broadcast_in_dim3A_65, %min3A_607] : memref<2x144xf32, #tpu.memory_space<vmem>>[vector<16xi32>, vector<16xi32>], vector<16xf32>,
      %lt3A_609 = arith.cmpf olt, %gather3A_608, %add3A_302 : vector<16xf32>
      %le3A_610 = arith.constant 128 : i32
      %le3A_611 = vector.broadcast %le3A_610 : i32 to vector<16xi32>
      %le3A_612 = arith.cmpi sle, %add3A_604, %le3A_611 : vector<16xi32>
      %and3A_613 = arith.andi %lt3A_609, %le3A_612 : vector<16xi1>
      %jit3A_614 = arith.constant 1 : i32
      %jit3A_615 = arith.constant 0 : i32
      %broadcast_in_dim3A_616 = vector.broadcast %jit3A_614 : i32 to vector<16xi32>
      %broadcast_in_dim3A_617 = vector.broadcast %jit3A_615 : i32 to vector<16xi32>
      %select_n3A_618 = arith.select %and3A_613, %broadcast_in_dim3A_616, %broadcast_in_dim3A_617 : vector<16xi1>, vector<16xi32>
      %add3A_619 = arith.addi %add3A_601, %select_n3A_618 : vector<16xi32>
      tpu.vector_store_idx %arg12[%broadcast_in_dim3A_65, %add3A_619], %broadcast_in_dim3A_36 {add = true} : memref<2x160xi32, #tpu.memory_space<vmem>>[vector<16xi32>, vector<16xi32>], vector<16xi32>,
      %shift_right_arithmetic3A_620 = arith.constant 4 : i32
      %shift_right_arithmetic3A_621 = vector.broadcast %shift_right_arithmetic3A_620 : i32 to vector<16xi32>
      %shift_right_arithmetic3A_622 = arith.shrsi %add3A_619, %shift_right_arithmetic3A_621 : vector<16xi32>
      %add3A_623 = arith.constant 1 : i32
      %add3A_624 = vector.broadcast %add3A_623 : i32 to vector<16xi32>
      %add3A_625 = arith.addi %shift_right_arithmetic3A_622, %add3A_624 : vector<16xi32>
      %add3A_626 = arith.constant 144 : i32
      %add3A_627 = vector.broadcast %add3A_626 : i32 to vector<16xi32>
      %add3A_628 = arith.addi %add3A_625, %add3A_627 : vector<16xi32>
      tpu.vector_store_idx %arg12[%broadcast_in_dim3A_65, %add3A_628], %broadcast_in_dim3A_36 {add = true} : memref<2x160xi32, #tpu.memory_space<vmem>>[vector<16xi32>, vector<16xi32>], vector<16xi32>,
      %get3A_629 = arith.constant 0 : i32
      %get3A_630 = arith.index_cast %get3A_629 : i32 to index
      %get3A_631 = arith.constant 144 : index
      %get3A_632 = tpu.vector_load %arg12[%get3A_630, %get3A_631] {strides = array<i32>} : memref<2x160xi32, #tpu.memory_space<vmem>>, vector<16xi32>,
      %broadcast_in_dim3A_633 = arith.constant true
      %broadcast_in_dim3A_634 = vector.broadcast %broadcast_in_dim3A_633 : i1 to vector<16xi1>
      %masked_cumsum3A_635 = tpu.scan <sum>, %get3A_632 masked %broadcast_in_dim3A_634 : vector<16xi32>, vector<16xi1> -> vector<16xi32>
      %swap3A_636 = arith.constant 0 : i32
      %swap3A_637 = arith.index_cast %swap3A_636 : i32 to index
      %swap3A_638 = arith.constant 144 : index
      %swap3A_639 = tpu.vector_load %arg12[%swap3A_637, %swap3A_638] {strides = array<i32>} : memref<2x160xi32, #tpu.memory_space<vmem>>, vector<16xi32>,
      tpu.vector_store %arg12[%swap3A_637, %swap3A_638], %masked_cumsum3A_635 {strides = array<i32>} : memref<2x160xi32, #tpu.memory_space<vmem>>, vector<16xi32>,
      %get3A_640 = arith.constant 0 : i32
      %get3A_641 = arith.index_cast %get3A_640 : i32 to index
      %get3A_642 = arith.constant 0 : index
      %get3A_643 = tpu.vector_load %arg12[%get3A_641, %get3A_642] {strides = array<i32>} : memref<2x160xi32, #tpu.memory_space<vmem>>, vector<16xi32>,
      %broadcast_in_dim3A_644 = arith.constant true
      %broadcast_in_dim3A_645 = vector.broadcast %broadcast_in_dim3A_644 : i1 to vector<16xi1>
      %masked_cumsum3A_646 = tpu.scan <sum>, %get3A_643 masked %broadcast_in_dim3A_645 : vector<16xi32>, vector<16xi1> -> vector<16xi32>
      %broadcast_in_dim3A_647 = arith.constant 144 : i32
      %broadcast_in_dim3A_648 = vector.broadcast %broadcast_in_dim3A_647 : i32 to vector<16xi32>
      %gather3A_649 = tpu.vector_load_idx %arg12[%broadcast_in_dim3A_65, %broadcast_in_dim3A_648] : memref<2x160xi32, #tpu.memory_space<vmem>>[vector<16xi32>, vector<16xi32>], vector<16xi32>,
      %add3A_650 = arith.addi %masked_cumsum3A_646, %gather3A_649 : vector<16xi32>
      %min3A_651 = arith.constant 63 : i32
      %min3A_652 = vector.broadcast %min3A_651 : i32 to vector<16xi32>
      %min3A_653 = arith.minsi %add3A_650, %min3A_652 : vector<16xi32>
      %gather3A_654 = tpu.vector_load_idx %arg10[%broadcast_in_dim3A_65, %min3A_653] : memref<2x72xf32, #tpu.memory_space<vmem>>[vector<16xi32>, vector<16xi32>], vector<16xf32>,
      %add3A_655 = arith.constant 1 : i32
      %add3A_656 = vector.broadcast %add3A_655 : i32 to vector<16xi32>
      %add3A_657 = arith.addi %min3A_653, %add3A_656 : vector<16xi32>
      %gather3A_658 = tpu.vector_load_idx %arg10[%broadcast_in_dim3A_65, %add3A_657] : memref<2x72xf32, #tpu.memory_space<vmem>>[vector<16xi32>, vector<16xi32>], vector<16xf32>,
      %mul3A_659 = arith.constant 2 : i32
      %mul3A_660 = vector.broadcast %mul3A_659 : i32 to vector<16xi32>
      %mul3A_661 = arith.muli %min3A_653, %mul3A_660 : vector<16xi32>
      %gather3A_662 = tpu.vector_load_idx %arg7[%broadcast_in_dim3A_71, %mul3A_661] : memref<128x128xf32, #tpu.memory_space<vmem>>[vector<16xi32>, vector<16xi32>], vector<16xf32>,
      %add3A_663 = arith.constant 2 : i32
      %add3A_664 = vector.broadcast %add3A_663 : i32 to vector<16xi32>
      %add3A_665 = arith.addi %mul3A_661, %add3A_664 : vector<16xi32>
      %min3A_666 = arith.constant 127 : i32
      %min3A_667 = vector.broadcast %min3A_666 : i32 to vector<16xi32>
      %min3A_668 = arith.minsi %add3A_665, %min3A_667 : vector<16xi32>
      %gather3A_669 = tpu.vector_load_idx %arg7[%broadcast_in_dim3A_71, %min3A_668] : memref<128x128xf32, #tpu.memory_space<vmem>>[vector<16xi32>, vector<16xi32>], vector<16xf32>,
      %sub3A_670 = arith.subf %mul3A_165, %gather3A_654 : vector<16xf32>
      %sub3A_671 = arith.subf %gather3A_658, %gather3A_654 : vector<16xf32>
      %div3A_672 = arith.divf %sub3A_670, %sub3A_671 : vector<16xf32>
      %jit3A_673 = arith.constant 0.000000e+00 : f32
      %jit3A_674 = arith.constant 1.000000e+00 : f32
      %max3A_675 = vector.broadcast %jit3A_673 : f32 to vector<16xf32>
      %max3A_676 = arith.maximumf %max3A_675, %div3A_672 : vector<16xf32>
      %min3A_677 = vector.broadcast %jit3A_674 : f32 to vector<16xf32>
      %min3A_678 = arith.minimumf %min3A_677, %max3A_676 : vector<16xf32>
      %sub3A_679 = arith.subf %gather3A_669, %gather3A_662 : vector<16xf32>
      %mul3A_680 = arith.mulf %min3A_678, %sub3A_679 : vector<16xf32>
      %add3A_681 = arith.addf %gather3A_662, %mul3A_680 : vector<16xf32>
      %mul3A_682 = arith.constant 2 : i32
      %mul3A_683 = vector.broadcast %mul3A_682 : i32 to vector<16xi32>
      %mul3A_684 = arith.muli %add3A_39, %mul3A_683 : vector<16xi32>
      tpu.vector_store_idx %arg9[%broadcast_in_dim3A_71, %mul3A_684], %add3A_681 : memref<128x256xf32, #tpu.memory_space<vmem>>[vector<16xi32>, vector<16xi32>], vector<16xf32>,
      %mul3A_685 = arith.constant 2 : i32
      %mul3A_686 = vector.broadcast %mul3A_685 : i32 to vector<16xi32>
      %mul3A_687 = arith.muli %add3A_39, %mul3A_686 : vector<16xi32>
      %sub3A_688 = arith.constant 1 : i32
      %sub3A_689 = vector.broadcast %sub3A_688 : i32 to vector<16xi32>
      %sub3A_690 = arith.subi %mul3A_687, %sub3A_689 : vector<16xi32>
      %max3A_691 = arith.constant 0 : i32
      %max3A_692 = vector.broadcast %max3A_691 : i32 to vector<16xi32>
      %max3A_693 = arith.maxsi %sub3A_690, %max3A_692 : vector<16xi32>
      %ge3A = arith.constant 1 : i32
      %ge3A_694 = vector.broadcast %ge3A : i32 to vector<16xi32>
      %ge3A_695 = arith.cmpi sge, %add3A_39, %ge3A_694 : vector<16xi32>
      tpu.vector_store_idx %arg9[%broadcast_in_dim3A_71, %max3A_693], %add3A_681 masked %ge3A_695 : memref<128x256xf32, #tpu.memory_space<vmem>>[vector<16xi32>, vector<16xi32>], vector<16xf32>, vector<16xi1>
      %get3A_696 = arith.constant 0 : i32
      %get3A_697 = arith.index_cast %get3A_696 : i32 to index
      %get3A_698 = arith.constant 16 : index
      %get3A_699 = tpu.vector_load %arg12[%get3A_697, %get3A_698] {strides = array<i32>} : memref<2x160xi32, #tpu.memory_space<vmem>>, vector<16xi32>,
      %broadcast_in_dim3A_700 = arith.constant true
      %broadcast_in_dim3A_701 = vector.broadcast %broadcast_in_dim3A_700 : i1 to vector<16xi1>
      %masked_cumsum3A_702 = tpu.scan <sum>, %get3A_699 masked %broadcast_in_dim3A_701 : vector<16xi32>, vector<16xi1> -> vector<16xi32>
      %broadcast_in_dim3A_703 = arith.constant 145 : i32
      %broadcast_in_dim3A_704 = vector.broadcast %broadcast_in_dim3A_703 : i32 to vector<16xi32>
      %gather3A_705 = tpu.vector_load_idx %arg12[%broadcast_in_dim3A_65, %broadcast_in_dim3A_704] : memref<2x160xi32, #tpu.memory_space<vmem>>[vector<16xi32>, vector<16xi32>], vector<16xi32>,
      %add3A_706 = arith.addi %masked_cumsum3A_702, %gather3A_705 : vector<16xi32>
      %min3A_707 = arith.constant 63 : i32
      %min3A_708 = vector.broadcast %min3A_707 : i32 to vector<16xi32>
      %min3A_709 = arith.minsi %add3A_706, %min3A_708 : vector<16xi32>
      %gather3A_710 = tpu.vector_load_idx %arg10[%broadcast_in_dim3A_65, %min3A_709] : memref<2x72xf32, #tpu.memory_space<vmem>>[vector<16xi32>, vector<16xi32>], vector<16xf32>,
      %add3A_711 = arith.constant 1 : i32
      %add3A_712 = vector.broadcast %add3A_711 : i32 to vector<16xi32>
      %add3A_713 = arith.addi %min3A_709, %add3A_712 : vector<16xi32>
      %gather3A_714 = tpu.vector_load_idx %arg10[%broadcast_in_dim3A_65, %add3A_713] : memref<2x72xf32, #tpu.memory_space<vmem>>[vector<16xi32>, vector<16xi32>], vector<16xf32>,
      %mul3A_715 = arith.constant 2 : i32
      %mul3A_716 = vector.broadcast %mul3A_715 : i32 to vector<16xi32>
      %mul3A_717 = arith.muli %min3A_709, %mul3A_716 : vector<16xi32>
      %gather3A_718 = tpu.vector_load_idx %arg7[%broadcast_in_dim3A_71, %mul3A_717] : memref<128x128xf32, #tpu.memory_space<vmem>>[vector<16xi32>, vector<16xi32>], vector<16xf32>,
      %add3A_719 = arith.constant 2 : i32
      %add3A_720 = vector.broadcast %add3A_719 : i32 to vector<16xi32>
      %add3A_721 = arith.addi %mul3A_717, %add3A_720 : vector<16xi32>
      %min3A_722 = arith.constant 127 : i32
      %min3A_723 = vector.broadcast %min3A_722 : i32 to vector<16xi32>
      %min3A_724 = arith.minsi %add3A_721, %min3A_723 : vector<16xi32>
      %gather3A_725 = tpu.vector_load_idx %arg7[%broadcast_in_dim3A_71, %min3A_724] : memref<128x128xf32, #tpu.memory_space<vmem>>[vector<16xi32>, vector<16xi32>], vector<16xf32>,
      %sub3A_726 = arith.subf %mul3A_176, %gather3A_710 : vector<16xf32>
      %sub3A_727 = arith.subf %gather3A_714, %gather3A_710 : vector<16xf32>
      %div3A_728 = arith.divf %sub3A_726, %sub3A_727 : vector<16xf32>
      %jit3A_729 = arith.constant 0.000000e+00 : f32
      %jit3A_730 = arith.constant 1.000000e+00 : f32
      %max3A_731 = vector.broadcast %jit3A_729 : f32 to vector<16xf32>
      %max3A_732 = arith.maximumf %max3A_731, %div3A_728 : vector<16xf32>
      %min3A_733 = vector.broadcast %jit3A_730 : f32 to vector<16xf32>
      %min3A_734 = arith.minimumf %min3A_733, %max3A_732 : vector<16xf32>
      %sub3A_735 = arith.subf %gather3A_725, %gather3A_718 : vector<16xf32>
      %mul3A_736 = arith.mulf %min3A_734, %sub3A_735 : vector<16xf32>
      %add3A_737 = arith.addf %gather3A_718, %mul3A_736 : vector<16xf32>
      %mul3A_738 = arith.constant 2 : i32
      %mul3A_739 = vector.broadcast %mul3A_738 : i32 to vector<16xi32>
      %mul3A_740 = arith.muli %add3A_42, %mul3A_739 : vector<16xi32>
      tpu.vector_store_idx %arg9[%broadcast_in_dim3A_71, %mul3A_740], %add3A_737 : memref<128x256xf32, #tpu.memory_space<vmem>>[vector<16xi32>, vector<16xi32>], vector<16xf32>,
      %mul3A_741 = arith.constant 2 : i32
      %mul3A_742 = vector.broadcast %mul3A_741 : i32 to vector<16xi32>
      %mul3A_743 = arith.muli %add3A_42, %mul3A_742 : vector<16xi32>
      %sub3A_744 = arith.constant 1 : i32
      %sub3A_745 = vector.broadcast %sub3A_744 : i32 to vector<16xi32>
      %sub3A_746 = arith.subi %mul3A_743, %sub3A_745 : vector<16xi32>
      tpu.vector_store_idx %arg9[%broadcast_in_dim3A_71, %sub3A_746], %add3A_737 : memref<128x256xf32, #tpu.memory_space<vmem>>[vector<16xi32>, vector<16xi32>], vector<16xf32>,
      %get3A_747 = arith.constant 0 : i32
      %get3A_748 = arith.index_cast %get3A_747 : i32 to index
      %get3A_749 = arith.constant 32 : index
      %get3A_750 = tpu.vector_load %arg12[%get3A_748, %get3A_749] {strides = array<i32>} : memref<2x160xi32, #tpu.memory_space<vmem>>, vector<16xi32>,
      %broadcast_in_dim3A_751 = arith.constant true
      %broadcast_in_dim3A_752 = vector.broadcast %broadcast_in_dim3A_751 : i1 to vector<16xi1>
      %masked_cumsum3A_753 = tpu.scan <sum>, %get3A_750 masked %broadcast_in_dim3A_752 : vector<16xi32>, vector<16xi1> -> vector<16xi32>
      %broadcast_in_dim3A_754 = arith.constant 146 : i32
      %broadcast_in_dim3A_755 = vector.broadcast %broadcast_in_dim3A_754 : i32 to vector<16xi32>
      %gather3A_756 = tpu.vector_load_idx %arg12[%broadcast_in_dim3A_65, %broadcast_in_dim3A_755] : memref<2x160xi32, #tpu.memory_space<vmem>>[vector<16xi32>, vector<16xi32>], vector<16xi32>,
      %add3A_757 = arith.addi %masked_cumsum3A_753, %gather3A_756 : vector<16xi32>
      %min3A_758 = arith.constant 63 : i32
      %min3A_759 = vector.broadcast %min3A_758 : i32 to vector<16xi32>
      %min3A_760 = arith.minsi %add3A_757, %min3A_759 : vector<16xi32>
      %gather3A_761 = tpu.vector_load_idx %arg10[%broadcast_in_dim3A_65, %min3A_760] : memref<2x72xf32, #tpu.memory_space<vmem>>[vector<16xi32>, vector<16xi32>], vector<16xf32>,
      %add3A_762 = arith.constant 1 : i32
      %add3A_763 = vector.broadcast %add3A_762 : i32 to vector<16xi32>
      %add3A_764 = arith.addi %min3A_760, %add3A_763 : vector<16xi32>
      %gather3A_765 = tpu.vector_load_idx %arg10[%broadcast_in_dim3A_65, %add3A_764] : memref<2x72xf32, #tpu.memory_space<vmem>>[vector<16xi32>, vector<16xi32>], vector<16xf32>,
      %mul3A_766 = arith.constant 2 : i32
      %mul3A_767 = vector.broadcast %mul3A_766 : i32 to vector<16xi32>
      %mul3A_768 = arith.muli %min3A_760, %mul3A_767 : vector<16xi32>
      %gather3A_769 = tpu.vector_load_idx %arg7[%broadcast_in_dim3A_71, %mul3A_768] : memref<128x128xf32, #tpu.memory_space<vmem>>[vector<16xi32>, vector<16xi32>], vector<16xf32>,
      %add3A_770 = arith.constant 2 : i32
      %add3A_771 = vector.broadcast %add3A_770 : i32 to vector<16xi32>
      %add3A_772 = arith.addi %mul3A_768, %add3A_771 : vector<16xi32>
      %min3A_773 = arith.constant 127 : i32
      %min3A_774 = vector.broadcast %min3A_773 : i32 to vector<16xi32>
      %min3A_775 = arith.minsi %add3A_772, %min3A_774 : vector<16xi32>
      %gather3A_776 = tpu.vector_load_idx %arg7[%broadcast_in_dim3A_71, %min3A_775] : memref<128x128xf32, #tpu.memory_space<vmem>>[vector<16xi32>, vector<16xi32>], vector<16xf32>,
      %sub3A_777 = arith.subf %mul3A_187, %gather3A_761 : vector<16xf32>
      %sub3A_778 = arith.subf %gather3A_765, %gather3A_761 : vector<16xf32>
      %div3A_779 = arith.divf %sub3A_777, %sub3A_778 : vector<16xf32>
      %jit3A_780 = arith.constant 0.000000e+00 : f32
      %jit3A_781 = arith.constant 1.000000e+00 : f32
      %max3A_782 = vector.broadcast %jit3A_780 : f32 to vector<16xf32>
      %max3A_783 = arith.maximumf %max3A_782, %div3A_779 : vector<16xf32>
      %min3A_784 = vector.broadcast %jit3A_781 : f32 to vector<16xf32>
      %min3A_785 = arith.minimumf %min3A_784, %max3A_783 : vector<16xf32>
      %sub3A_786 = arith.subf %gather3A_776, %gather3A_769 : vector<16xf32>
      %mul3A_787 = arith.mulf %min3A_785, %sub3A_786 : vector<16xf32>
      %add3A_788 = arith.addf %gather3A_769, %mul3A_787 : vector<16xf32>
      %mul3A_789 = arith.constant 2 : i32
      %mul3A_790 = vector.broadcast %mul3A_789 : i32 to vector<16xi32>
      %mul3A_791 = arith.muli %add3A_45, %mul3A_790 : vector<16xi32>
      tpu.vector_store_idx %arg9[%broadcast_in_dim3A_71, %mul3A_791], %add3A_788 : memref<128x256xf32, #tpu.memory_space<vmem>>[vector<16xi32>, vector<16xi32>], vector<16xf32>,
      %mul3A_792 = arith.constant 2 : i32
      %mul3A_793 = vector.broadcast %mul3A_792 : i32 to vector<16xi32>
      %mul3A_794 = arith.muli %add3A_45, %mul3A_793 : vector<16xi32>
      %sub3A_795 = arith.constant 1 : i32
      %sub3A_796 = vector.broadcast %sub3A_795 : i32 to vector<16xi32>
      %sub3A_797 = arith.subi %mul3A_794, %sub3A_796 : vector<16xi32>
      tpu.vector_store_idx %arg9[%broadcast_in_dim3A_71, %sub3A_797], %add3A_788 : memref<128x256xf32, #tpu.memory_space<vmem>>[vector<16xi32>, vector<16xi32>], vector<16xf32>,
      %get3A_798 = arith.constant 0 : i32
      %get3A_799 = arith.index_cast %get3A_798 : i32 to index
      %get3A_800 = arith.constant 48 : index
      %get3A_801 = tpu.vector_load %arg12[%get3A_799, %get3A_800] {strides = array<i32>} : memref<2x160xi32, #tpu.memory_space<vmem>>, vector<16xi32>,
      %broadcast_in_dim3A_802 = arith.constant true
      %broadcast_in_dim3A_803 = vector.broadcast %broadcast_in_dim3A_802 : i1 to vector<16xi1>
      %masked_cumsum3A_804 = tpu.scan <sum>, %get3A_801 masked %broadcast_in_dim3A_803 : vector<16xi32>, vector<16xi1> -> vector<16xi32>
      %broadcast_in_dim3A_805 = arith.constant 147 : i32
      %broadcast_in_dim3A_806 = vector.broadcast %broadcast_in_dim3A_805 : i32 to vector<16xi32>
      %gather3A_807 = tpu.vector_load_idx %arg12[%broadcast_in_dim3A_65, %broadcast_in_dim3A_806] : memref<2x160xi32, #tpu.memory_space<vmem>>[vector<16xi32>, vector<16xi32>], vector<16xi32>,
      %add3A_808 = arith.addi %masked_cumsum3A_804, %gather3A_807 : vector<16xi32>
      %min3A_809 = arith.constant 63 : i32
      %min3A_810 = vector.broadcast %min3A_809 : i32 to vector<16xi32>
      %min3A_811 = arith.minsi %add3A_808, %min3A_810 : vector<16xi32>
      %gather3A_812 = tpu.vector_load_idx %arg10[%broadcast_in_dim3A_65, %min3A_811] : memref<2x72xf32, #tpu.memory_space<vmem>>[vector<16xi32>, vector<16xi32>], vector<16xf32>,
      %add3A_813 = arith.constant 1 : i32
      %add3A_814 = vector.broadcast %add3A_813 : i32 to vector<16xi32>
      %add3A_815 = arith.addi %min3A_811, %add3A_814 : vector<16xi32>
      %gather3A_816 = tpu.vector_load_idx %arg10[%broadcast_in_dim3A_65, %add3A_815] : memref<2x72xf32, #tpu.memory_space<vmem>>[vector<16xi32>, vector<16xi32>], vector<16xf32>,
      %mul3A_817 = arith.constant 2 : i32
      %mul3A_818 = vector.broadcast %mul3A_817 : i32 to vector<16xi32>
      %mul3A_819 = arith.muli %min3A_811, %mul3A_818 : vector<16xi32>
      %gather3A_820 = tpu.vector_load_idx %arg7[%broadcast_in_dim3A_71, %mul3A_819] : memref<128x128xf32, #tpu.memory_space<vmem>>[vector<16xi32>, vector<16xi32>], vector<16xf32>,
      %add3A_821 = arith.constant 2 : i32
      %add3A_822 = vector.broadcast %add3A_821 : i32 to vector<16xi32>
      %add3A_823 = arith.addi %mul3A_819, %add3A_822 : vector<16xi32>
      %min3A_824 = arith.constant 127 : i32
      %min3A_825 = vector.broadcast %min3A_824 : i32 to vector<16xi32>
      %min3A_826 = arith.minsi %add3A_823, %min3A_825 : vector<16xi32>
      %gather3A_827 = tpu.vector_load_idx %arg7[%broadcast_in_dim3A_71, %min3A_826] : memref<128x128xf32, #tpu.memory_space<vmem>>[vector<16xi32>, vector<16xi32>], vector<16xf32>,
      %sub3A_828 = arith.subf %mul3A_198, %gather3A_812 : vector<16xf32>
      %sub3A_829 = arith.subf %gather3A_816, %gather3A_812 : vector<16xf32>
      %div3A_830 = arith.divf %sub3A_828, %sub3A_829 : vector<16xf32>
      %jit3A_831 = arith.constant 0.000000e+00 : f32
      %jit3A_832 = arith.constant 1.000000e+00 : f32
      %max3A_833 = vector.broadcast %jit3A_831 : f32 to vector<16xf32>
      %max3A_834 = arith.maximumf %max3A_833, %div3A_830 : vector<16xf32>
      %min3A_835 = vector.broadcast %jit3A_832 : f32 to vector<16xf32>
      %min3A_836 = arith.minimumf %min3A_835, %max3A_834 : vector<16xf32>
      %sub3A_837 = arith.subf %gather3A_827, %gather3A_820 : vector<16xf32>
      %mul3A_838 = arith.mulf %min3A_836, %sub3A_837 : vector<16xf32>
      %add3A_839 = arith.addf %gather3A_820, %mul3A_838 : vector<16xf32>
      %mul3A_840 = arith.constant 2 : i32
      %mul3A_841 = vector.broadcast %mul3A_840 : i32 to vector<16xi32>
      %mul3A_842 = arith.muli %add3A_48, %mul3A_841 : vector<16xi32>
      tpu.vector_store_idx %arg9[%broadcast_in_dim3A_71, %mul3A_842], %add3A_839 : memref<128x256xf32, #tpu.memory_space<vmem>>[vector<16xi32>, vector<16xi32>], vector<16xf32>,
      %mul3A_843 = arith.constant 2 : i32
      %mul3A_844 = vector.broadcast %mul3A_843 : i32 to vector<16xi32>
      %mul3A_845 = arith.muli %add3A_48, %mul3A_844 : vector<16xi32>
      %sub3A_846 = arith.constant 1 : i32
      %sub3A_847 = vector.broadcast %sub3A_846 : i32 to vector<16xi32>
      %sub3A_848 = arith.subi %mul3A_845, %sub3A_847 : vector<16xi32>
      tpu.vector_store_idx %arg9[%broadcast_in_dim3A_71, %sub3A_848], %add3A_839 : memref<128x256xf32, #tpu.memory_space<vmem>>[vector<16xi32>, vector<16xi32>], vector<16xf32>,
      %get3A_849 = arith.constant 0 : i32
      %get3A_850 = arith.index_cast %get3A_849 : i32 to index
      %get3A_851 = arith.constant 64 : index
      %get3A_852 = tpu.vector_load %arg12[%get3A_850, %get3A_851] {strides = array<i32>} : memref<2x160xi32, #tpu.memory_space<vmem>>, vector<16xi32>,
      %broadcast_in_dim3A_853 = arith.constant true
      %broadcast_in_dim3A_854 = vector.broadcast %broadcast_in_dim3A_853 : i1 to vector<16xi1>
      %masked_cumsum3A_855 = tpu.scan <sum>, %get3A_852 masked %broadcast_in_dim3A_854 : vector<16xi32>, vector<16xi1> -> vector<16xi32>
      %broadcast_in_dim3A_856 = arith.constant 148 : i32
      %broadcast_in_dim3A_857 = vector.broadcast %broadcast_in_dim3A_856 : i32 to vector<16xi32>
      %gather3A_858 = tpu.vector_load_idx %arg12[%broadcast_in_dim3A_65, %broadcast_in_dim3A_857] : memref<2x160xi32, #tpu.memory_space<vmem>>[vector<16xi32>, vector<16xi32>], vector<16xi32>,
      %add3A_859 = arith.addi %masked_cumsum3A_855, %gather3A_858 : vector<16xi32>
      %min3A_860 = arith.constant 63 : i32
      %min3A_861 = vector.broadcast %min3A_860 : i32 to vector<16xi32>
      %min3A_862 = arith.minsi %add3A_859, %min3A_861 : vector<16xi32>
      %gather3A_863 = tpu.vector_load_idx %arg10[%broadcast_in_dim3A_65, %min3A_862] : memref<2x72xf32, #tpu.memory_space<vmem>>[vector<16xi32>, vector<16xi32>], vector<16xf32>,
      %add3A_864 = arith.constant 1 : i32
      %add3A_865 = vector.broadcast %add3A_864 : i32 to vector<16xi32>
      %add3A_866 = arith.addi %min3A_862, %add3A_865 : vector<16xi32>
      %gather3A_867 = tpu.vector_load_idx %arg10[%broadcast_in_dim3A_65, %add3A_866] : memref<2x72xf32, #tpu.memory_space<vmem>>[vector<16xi32>, vector<16xi32>], vector<16xf32>,
      %mul3A_868 = arith.constant 2 : i32
      %mul3A_869 = vector.broadcast %mul3A_868 : i32 to vector<16xi32>
      %mul3A_870 = arith.muli %min3A_862, %mul3A_869 : vector<16xi32>
      %gather3A_871 = tpu.vector_load_idx %arg7[%broadcast_in_dim3A_71, %mul3A_870] : memref<128x128xf32, #tpu.memory_space<vmem>>[vector<16xi32>, vector<16xi32>], vector<16xf32>,
      %add3A_872 = arith.constant 2 : i32
      %add3A_873 = vector.broadcast %add3A_872 : i32 to vector<16xi32>
      %add3A_874 = arith.addi %mul3A_870, %add3A_873 : vector<16xi32>
      %min3A_875 = arith.constant 127 : i32
      %min3A_876 = vector.broadcast %min3A_875 : i32 to vector<16xi32>
      %min3A_877 = arith.minsi %add3A_874, %min3A_876 : vector<16xi32>
      %gather3A_878 = tpu.vector_load_idx %arg7[%broadcast_in_dim3A_71, %min3A_877] : memref<128x128xf32, #tpu.memory_space<vmem>>[vector<16xi32>, vector<16xi32>], vector<16xf32>,
      %sub3A_879 = arith.subf %mul3A_209, %gather3A_863 : vector<16xf32>
      %sub3A_880 = arith.subf %gather3A_867, %gather3A_863 : vector<16xf32>
      %div3A_881 = arith.divf %sub3A_879, %sub3A_880 : vector<16xf32>
      %jit3A_882 = arith.constant 0.000000e+00 : f32
      %jit3A_883 = arith.constant 1.000000e+00 : f32
      %max3A_884 = vector.broadcast %jit3A_882 : f32 to vector<16xf32>
      %max3A_885 = arith.maximumf %max3A_884, %div3A_881 : vector<16xf32>
      %min3A_886 = vector.broadcast %jit3A_883 : f32 to vector<16xf32>
      %min3A_887 = arith.minimumf %min3A_886, %max3A_885 : vector<16xf32>
      %sub3A_888 = arith.subf %gather3A_878, %gather3A_871 : vector<16xf32>
      %mul3A_889 = arith.mulf %min3A_887, %sub3A_888 : vector<16xf32>
      %add3A_890 = arith.addf %gather3A_871, %mul3A_889 : vector<16xf32>
      %mul3A_891 = arith.constant 2 : i32
      %mul3A_892 = vector.broadcast %mul3A_891 : i32 to vector<16xi32>
      %mul3A_893 = arith.muli %add3A_51, %mul3A_892 : vector<16xi32>
      tpu.vector_store_idx %arg9[%broadcast_in_dim3A_71, %mul3A_893], %add3A_890 : memref<128x256xf32, #tpu.memory_space<vmem>>[vector<16xi32>, vector<16xi32>], vector<16xf32>,
      %mul3A_894 = arith.constant 2 : i32
      %mul3A_895 = vector.broadcast %mul3A_894 : i32 to vector<16xi32>
      %mul3A_896 = arith.muli %add3A_51, %mul3A_895 : vector<16xi32>
      %sub3A_897 = arith.constant 1 : i32
      %sub3A_898 = vector.broadcast %sub3A_897 : i32 to vector<16xi32>
      %sub3A_899 = arith.subi %mul3A_896, %sub3A_898 : vector<16xi32>
      tpu.vector_store_idx %arg9[%broadcast_in_dim3A_71, %sub3A_899], %add3A_890 : memref<128x256xf32, #tpu.memory_space<vmem>>[vector<16xi32>, vector<16xi32>], vector<16xf32>,
      %get3A_900 = arith.constant 0 : i32
      %get3A_901 = arith.index_cast %get3A_900 : i32 to index
      %get3A_902 = arith.constant 80 : index
      %get3A_903 = tpu.vector_load %arg12[%get3A_901, %get3A_902] {strides = array<i32>} : memref<2x160xi32, #tpu.memory_space<vmem>>, vector<16xi32>,
      %broadcast_in_dim3A_904 = arith.constant true
      %broadcast_in_dim3A_905 = vector.broadcast %broadcast_in_dim3A_904 : i1 to vector<16xi1>
      %masked_cumsum3A_906 = tpu.scan <sum>, %get3A_903 masked %broadcast_in_dim3A_905 : vector<16xi32>, vector<16xi1> -> vector<16xi32>
      %broadcast_in_dim3A_907 = arith.constant 149 : i32
      %broadcast_in_dim3A_908 = vector.broadcast %broadcast_in_dim3A_907 : i32 to vector<16xi32>
      %gather3A_909 = tpu.vector_load_idx %arg12[%broadcast_in_dim3A_65, %broadcast_in_dim3A_908] : memref<2x160xi32, #tpu.memory_space<vmem>>[vector<16xi32>, vector<16xi32>], vector<16xi32>,
      %add3A_910 = arith.addi %masked_cumsum3A_906, %gather3A_909 : vector<16xi32>
      %min3A_911 = arith.constant 63 : i32
      %min3A_912 = vector.broadcast %min3A_911 : i32 to vector<16xi32>
      %min3A_913 = arith.minsi %add3A_910, %min3A_912 : vector<16xi32>
      %gather3A_914 = tpu.vector_load_idx %arg10[%broadcast_in_dim3A_65, %min3A_913] : memref<2x72xf32, #tpu.memory_space<vmem>>[vector<16xi32>, vector<16xi32>], vector<16xf32>,
      %add3A_915 = arith.constant 1 : i32
      %add3A_916 = vector.broadcast %add3A_915 : i32 to vector<16xi32>
      %add3A_917 = arith.addi %min3A_913, %add3A_916 : vector<16xi32>
      %gather3A_918 = tpu.vector_load_idx %arg10[%broadcast_in_dim3A_65, %add3A_917] : memref<2x72xf32, #tpu.memory_space<vmem>>[vector<16xi32>, vector<16xi32>], vector<16xf32>,
      %mul3A_919 = arith.constant 2 : i32
      %mul3A_920 = vector.broadcast %mul3A_919 : i32 to vector<16xi32>
      %mul3A_921 = arith.muli %min3A_913, %mul3A_920 : vector<16xi32>
      %gather3A_922 = tpu.vector_load_idx %arg7[%broadcast_in_dim3A_71, %mul3A_921] : memref<128x128xf32, #tpu.memory_space<vmem>>[vector<16xi32>, vector<16xi32>], vector<16xf32>,
      %add3A_923 = arith.constant 2 : i32
      %add3A_924 = vector.broadcast %add3A_923 : i32 to vector<16xi32>
      %add3A_925 = arith.addi %mul3A_921, %add3A_924 : vector<16xi32>
      %min3A_926 = arith.constant 127 : i32
      %min3A_927 = vector.broadcast %min3A_926 : i32 to vector<16xi32>
      %min3A_928 = arith.minsi %add3A_925, %min3A_927 : vector<16xi32>
      %gather3A_929 = tpu.vector_load_idx %arg7[%broadcast_in_dim3A_71, %min3A_928] : memref<128x128xf32, #tpu.memory_space<vmem>>[vector<16xi32>, vector<16xi32>], vector<16xf32>,
      %sub3A_930 = arith.subf %mul3A_220, %gather3A_914 : vector<16xf32>
      %sub3A_931 = arith.subf %gather3A_918, %gather3A_914 : vector<16xf32>
      %div3A_932 = arith.divf %sub3A_930, %sub3A_931 : vector<16xf32>
      %jit3A_933 = arith.constant 0.000000e+00 : f32
      %jit3A_934 = arith.constant 1.000000e+00 : f32
      %max3A_935 = vector.broadcast %jit3A_933 : f32 to vector<16xf32>
      %max3A_936 = arith.maximumf %max3A_935, %div3A_932 : vector<16xf32>
      %min3A_937 = vector.broadcast %jit3A_934 : f32 to vector<16xf32>
      %min3A_938 = arith.minimumf %min3A_937, %max3A_936 : vector<16xf32>
      %sub3A_939 = arith.subf %gather3A_929, %gather3A_922 : vector<16xf32>
      %mul3A_940 = arith.mulf %min3A_938, %sub3A_939 : vector<16xf32>
      %add3A_941 = arith.addf %gather3A_922, %mul3A_940 : vector<16xf32>
      %mul3A_942 = arith.constant 2 : i32
      %mul3A_943 = vector.broadcast %mul3A_942 : i32 to vector<16xi32>
      %mul3A_944 = arith.muli %add3A_54, %mul3A_943 : vector<16xi32>
      tpu.vector_store_idx %arg9[%broadcast_in_dim3A_71, %mul3A_944], %add3A_941 : memref<128x256xf32, #tpu.memory_space<vmem>>[vector<16xi32>, vector<16xi32>], vector<16xf32>,
      %mul3A_945 = arith.constant 2 : i32
      %mul3A_946 = vector.broadcast %mul3A_945 : i32 to vector<16xi32>
      %mul3A_947 = arith.muli %add3A_54, %mul3A_946 : vector<16xi32>
      %sub3A_948 = arith.constant 1 : i32
      %sub3A_949 = vector.broadcast %sub3A_948 : i32 to vector<16xi32>
      %sub3A_950 = arith.subi %mul3A_947, %sub3A_949 : vector<16xi32>
      tpu.vector_store_idx %arg9[%broadcast_in_dim3A_71, %sub3A_950], %add3A_941 : memref<128x256xf32, #tpu.memory_space<vmem>>[vector<16xi32>, vector<16xi32>], vector<16xf32>,
      %get3A_951 = arith.constant 0 : i32
      %get3A_952 = arith.index_cast %get3A_951 : i32 to index
      %get3A_953 = arith.constant 96 : index
      %get3A_954 = tpu.vector_load %arg12[%get3A_952, %get3A_953] {strides = array<i32>} : memref<2x160xi32, #tpu.memory_space<vmem>>, vector<16xi32>,
      %broadcast_in_dim3A_955 = arith.constant true
      %broadcast_in_dim3A_956 = vector.broadcast %broadcast_in_dim3A_955 : i1 to vector<16xi1>
      %masked_cumsum3A_957 = tpu.scan <sum>, %get3A_954 masked %broadcast_in_dim3A_956 : vector<16xi32>, vector<16xi1> -> vector<16xi32>
      %broadcast_in_dim3A_958 = arith.constant 150 : i32
      %broadcast_in_dim3A_959 = vector.broadcast %broadcast_in_dim3A_958 : i32 to vector<16xi32>
      %gather3A_960 = tpu.vector_load_idx %arg12[%broadcast_in_dim3A_65, %broadcast_in_dim3A_959] : memref<2x160xi32, #tpu.memory_space<vmem>>[vector<16xi32>, vector<16xi32>], vector<16xi32>,
      %add3A_961 = arith.addi %masked_cumsum3A_957, %gather3A_960 : vector<16xi32>
      %min3A_962 = arith.constant 63 : i32
      %min3A_963 = vector.broadcast %min3A_962 : i32 to vector<16xi32>
      %min3A_964 = arith.minsi %add3A_961, %min3A_963 : vector<16xi32>
      %gather3A_965 = tpu.vector_load_idx %arg10[%broadcast_in_dim3A_65, %min3A_964] : memref<2x72xf32, #tpu.memory_space<vmem>>[vector<16xi32>, vector<16xi32>], vector<16xf32>,
      %add3A_966 = arith.constant 1 : i32
      %add3A_967 = vector.broadcast %add3A_966 : i32 to vector<16xi32>
      %add3A_968 = arith.addi %min3A_964, %add3A_967 : vector<16xi32>
      %gather3A_969 = tpu.vector_load_idx %arg10[%broadcast_in_dim3A_65, %add3A_968] : memref<2x72xf32, #tpu.memory_space<vmem>>[vector<16xi32>, vector<16xi32>], vector<16xf32>,
      %mul3A_970 = arith.constant 2 : i32
      %mul3A_971 = vector.broadcast %mul3A_970 : i32 to vector<16xi32>
      %mul3A_972 = arith.muli %min3A_964, %mul3A_971 : vector<16xi32>
      %gather3A_973 = tpu.vector_load_idx %arg7[%broadcast_in_dim3A_71, %mul3A_972] : memref<128x128xf32, #tpu.memory_space<vmem>>[vector<16xi32>, vector<16xi32>], vector<16xf32>,
      %add3A_974 = arith.constant 2 : i32
      %add3A_975 = vector.broadcast %add3A_974 : i32 to vector<16xi32>
      %add3A_976 = arith.addi %mul3A_972, %add3A_975 : vector<16xi32>
      %min3A_977 = arith.constant 127 : i32
      %min3A_978 = vector.broadcast %min3A_977 : i32 to vector<16xi32>
      %min3A_979 = arith.minsi %add3A_976, %min3A_978 : vector<16xi32>
      %gather3A_980 = tpu.vector_load_idx %arg7[%broadcast_in_dim3A_71, %min3A_979] : memref<128x128xf32, #tpu.memory_space<vmem>>[vector<16xi32>, vector<16xi32>], vector<16xf32>,
      %sub3A_981 = arith.subf %mul3A_231, %gather3A_965 : vector<16xf32>
      %sub3A_982 = arith.subf %gather3A_969, %gather3A_965 : vector<16xf32>
      %div3A_983 = arith.divf %sub3A_981, %sub3A_982 : vector<16xf32>
      %jit3A_984 = arith.constant 0.000000e+00 : f32
      %jit3A_985 = arith.constant 1.000000e+00 : f32
      %max3A_986 = vector.broadcast %jit3A_984 : f32 to vector<16xf32>
      %max3A_987 = arith.maximumf %max3A_986, %div3A_983 : vector<16xf32>
      %min3A_988 = vector.broadcast %jit3A_985 : f32 to vector<16xf32>
      %min3A_989 = arith.minimumf %min3A_988, %max3A_987 : vector<16xf32>
      %sub3A_990 = arith.subf %gather3A_980, %gather3A_973 : vector<16xf32>
      %mul3A_991 = arith.mulf %min3A_989, %sub3A_990 : vector<16xf32>
      %add3A_992 = arith.addf %gather3A_973, %mul3A_991 : vector<16xf32>
      %mul3A_993 = arith.constant 2 : i32
      %mul3A_994 = vector.broadcast %mul3A_993 : i32 to vector<16xi32>
      %mul3A_995 = arith.muli %add3A_57, %mul3A_994 : vector<16xi32>
      tpu.vector_store_idx %arg9[%broadcast_in_dim3A_71, %mul3A_995], %add3A_992 : memref<128x256xf32, #tpu.memory_space<vmem>>[vector<16xi32>, vector<16xi32>], vector<16xf32>,
      %mul3A_996 = arith.constant 2 : i32
      %mul3A_997 = vector.broadcast %mul3A_996 : i32 to vector<16xi32>
      %mul3A_998 = arith.muli %add3A_57, %mul3A_997 : vector<16xi32>
      %sub3A_999 = arith.constant 1 : i32
      %sub3A_1000 = vector.broadcast %sub3A_999 : i32 to vector<16xi32>
      %sub3A_1001 = arith.subi %mul3A_998, %sub3A_1000 : vector<16xi32>
      tpu.vector_store_idx %arg9[%broadcast_in_dim3A_71, %sub3A_1001], %add3A_992 : memref<128x256xf32, #tpu.memory_space<vmem>>[vector<16xi32>, vector<16xi32>], vector<16xf32>,
      %get3A_1002 = arith.constant 0 : i32
      %get3A_1003 = arith.index_cast %get3A_1002 : i32 to index
      %get3A_1004 = arith.constant 112 : index
      %get3A_1005 = tpu.vector_load %arg12[%get3A_1003, %get3A_1004] {strides = array<i32>} : memref<2x160xi32, #tpu.memory_space<vmem>>, vector<16xi32>,
      %broadcast_in_dim3A_1006 = arith.constant true
      %broadcast_in_dim3A_1007 = vector.broadcast %broadcast_in_dim3A_1006 : i1 to vector<16xi1>
      %masked_cumsum3A_1008 = tpu.scan <sum>, %get3A_1005 masked %broadcast_in_dim3A_1007 : vector<16xi32>, vector<16xi1> -> vector<16xi32>
      %broadcast_in_dim3A_1009 = arith.constant 151 : i32
      %broadcast_in_dim3A_1010 = vector.broadcast %broadcast_in_dim3A_1009 : i32 to vector<16xi32>
      %gather3A_1011 = tpu.vector_load_idx %arg12[%broadcast_in_dim3A_65, %broadcast_in_dim3A_1010] : memref<2x160xi32, #tpu.memory_space<vmem>>[vector<16xi32>, vector<16xi32>], vector<16xi32>,
      %add3A_1012 = arith.addi %masked_cumsum3A_1008, %gather3A_1011 : vector<16xi32>
      %min3A_1013 = arith.constant 63 : i32
      %min3A_1014 = vector.broadcast %min3A_1013 : i32 to vector<16xi32>
      %min3A_1015 = arith.minsi %add3A_1012, %min3A_1014 : vector<16xi32>
      %gather3A_1016 = tpu.vector_load_idx %arg10[%broadcast_in_dim3A_65, %min3A_1015] : memref<2x72xf32, #tpu.memory_space<vmem>>[vector<16xi32>, vector<16xi32>], vector<16xf32>,
      %add3A_1017 = arith.constant 1 : i32
      %add3A_1018 = vector.broadcast %add3A_1017 : i32 to vector<16xi32>
      %add3A_1019 = arith.addi %min3A_1015, %add3A_1018 : vector<16xi32>
      %gather3A_1020 = tpu.vector_load_idx %arg10[%broadcast_in_dim3A_65, %add3A_1019] : memref<2x72xf32, #tpu.memory_space<vmem>>[vector<16xi32>, vector<16xi32>], vector<16xf32>,
      %mul3A_1021 = arith.constant 2 : i32
      %mul3A_1022 = vector.broadcast %mul3A_1021 : i32 to vector<16xi32>
      %mul3A_1023 = arith.muli %min3A_1015, %mul3A_1022 : vector<16xi32>
      %gather3A_1024 = tpu.vector_load_idx %arg7[%broadcast_in_dim3A_71, %mul3A_1023] : memref<128x128xf32, #tpu.memory_space<vmem>>[vector<16xi32>, vector<16xi32>], vector<16xf32>,
      %add3A_1025 = arith.constant 2 : i32
      %add3A_1026 = vector.broadcast %add3A_1025 : i32 to vector<16xi32>
      %add3A_1027 = arith.addi %mul3A_1023, %add3A_1026 : vector<16xi32>
      %min3A_1028 = arith.constant 127 : i32
      %min3A_1029 = vector.broadcast %min3A_1028 : i32 to vector<16xi32>
      %min3A_1030 = arith.minsi %add3A_1027, %min3A_1029 : vector<16xi32>
      %gather3A_1031 = tpu.vector_load_idx %arg7[%broadcast_in_dim3A_71, %min3A_1030] : memref<128x128xf32, #tpu.memory_space<vmem>>[vector<16xi32>, vector<16xi32>], vector<16xf32>,
      %sub3A_1032 = arith.subf %mul3A_242, %gather3A_1016 : vector<16xf32>
      %sub3A_1033 = arith.subf %gather3A_1020, %gather3A_1016 : vector<16xf32>
      %div3A_1034 = arith.divf %sub3A_1032, %sub3A_1033 : vector<16xf32>
      %jit3A_1035 = arith.constant 0.000000e+00 : f32
      %jit3A_1036 = arith.constant 1.000000e+00 : f32
      %max3A_1037 = vector.broadcast %jit3A_1035 : f32 to vector<16xf32>
      %max3A_1038 = arith.maximumf %max3A_1037, %div3A_1034 : vector<16xf32>
      %min3A_1039 = vector.broadcast %jit3A_1036 : f32 to vector<16xf32>
      %min3A_1040 = arith.minimumf %min3A_1039, %max3A_1038 : vector<16xf32>
      %sub3A_1041 = arith.subf %gather3A_1031, %gather3A_1024 : vector<16xf32>
      %mul3A_1042 = arith.mulf %min3A_1040, %sub3A_1041 : vector<16xf32>
      %add3A_1043 = arith.addf %gather3A_1024, %mul3A_1042 : vector<16xf32>
      %mul3A_1044 = arith.constant 2 : i32
      %mul3A_1045 = vector.broadcast %mul3A_1044 : i32 to vector<16xi32>
      %mul3A_1046 = arith.muli %add3A_60, %mul3A_1045 : vector<16xi32>
      tpu.vector_store_idx %arg9[%broadcast_in_dim3A_71, %mul3A_1046], %add3A_1043 : memref<128x256xf32, #tpu.memory_space<vmem>>[vector<16xi32>, vector<16xi32>], vector<16xf32>,
      %mul3A_1047 = arith.constant 2 : i32
      %mul3A_1048 = vector.broadcast %mul3A_1047 : i32 to vector<16xi32>
      %mul3A_1049 = arith.muli %add3A_60, %mul3A_1048 : vector<16xi32>
      %sub3A_1050 = arith.constant 1 : i32
      %sub3A_1051 = vector.broadcast %sub3A_1050 : i32 to vector<16xi32>
      %sub3A_1052 = arith.subi %mul3A_1049, %sub3A_1051 : vector<16xi32>
      tpu.vector_store_idx %arg9[%broadcast_in_dim3A_71, %sub3A_1052], %add3A_1043 : memref<128x256xf32, #tpu.memory_space<vmem>>[vector<16xi32>, vector<16xi32>], vector<16xf32>,
      %get3A_1053 = arith.constant 0 : i32
      %get3A_1054 = arith.index_cast %get3A_1053 : i32 to index
      %get3A_1055 = arith.constant 128 : index
      %get3A_1056 = tpu.vector_load %arg12[%get3A_1054, %get3A_1055] {strides = array<i32>} : memref<2x160xi32, #tpu.memory_space<vmem>>, vector<16xi32>,
      %broadcast_in_dim3A_1057 = arith.constant true
      %broadcast_in_dim3A_1058 = vector.broadcast %broadcast_in_dim3A_1057 : i1 to vector<16xi1>
      %masked_cumsum3A_1059 = tpu.scan <sum>, %get3A_1056 masked %broadcast_in_dim3A_1058 : vector<16xi32>, vector<16xi1> -> vector<16xi32>
      %broadcast_in_dim3A_1060 = arith.constant 152 : i32
      %broadcast_in_dim3A_1061 = vector.broadcast %broadcast_in_dim3A_1060 : i32 to vector<16xi32>
      %gather3A_1062 = tpu.vector_load_idx %arg12[%broadcast_in_dim3A_65, %broadcast_in_dim3A_1061] : memref<2x160xi32, #tpu.memory_space<vmem>>[vector<16xi32>, vector<16xi32>], vector<16xi32>,
      %add3A_1063 = arith.addi %masked_cumsum3A_1059, %gather3A_1062 : vector<16xi32>
      %min3A_1064 = arith.constant 63 : i32
      %min3A_1065 = vector.broadcast %min3A_1064 : i32 to vector<16xi32>
      %min3A_1066 = arith.minsi %add3A_1063, %min3A_1065 : vector<16xi32>
      %gather3A_1067 = tpu.vector_load_idx %arg10[%broadcast_in_dim3A_65, %min3A_1066] : memref<2x72xf32, #tpu.memory_space<vmem>>[vector<16xi32>, vector<16xi32>], vector<16xf32>,
      %add3A_1068 = arith.constant 1 : i32
      %add3A_1069 = vector.broadcast %add3A_1068 : i32 to vector<16xi32>
      %add3A_1070 = arith.addi %min3A_1066, %add3A_1069 : vector<16xi32>
      %gather3A_1071 = tpu.vector_load_idx %arg10[%broadcast_in_dim3A_65, %add3A_1070] : memref<2x72xf32, #tpu.memory_space<vmem>>[vector<16xi32>, vector<16xi32>], vector<16xf32>,
      %mul3A_1072 = arith.constant 2 : i32
      %mul3A_1073 = vector.broadcast %mul3A_1072 : i32 to vector<16xi32>
      %mul3A_1074 = arith.muli %min3A_1066, %mul3A_1073 : vector<16xi32>
      %gather3A_1075 = tpu.vector_load_idx %arg7[%broadcast_in_dim3A_71, %mul3A_1074] : memref<128x128xf32, #tpu.memory_space<vmem>>[vector<16xi32>, vector<16xi32>], vector<16xf32>,
      %add3A_1076 = arith.constant 2 : i32
      %add3A_1077 = vector.broadcast %add3A_1076 : i32 to vector<16xi32>
      %add3A_1078 = arith.addi %mul3A_1074, %add3A_1077 : vector<16xi32>
      %min3A_1079 = arith.constant 127 : i32
      %min3A_1080 = vector.broadcast %min3A_1079 : i32 to vector<16xi32>
      %min3A_1081 = arith.minsi %add3A_1078, %min3A_1080 : vector<16xi32>
      %gather3A_1082 = tpu.vector_load_idx %arg7[%broadcast_in_dim3A_71, %min3A_1081] : memref<128x128xf32, #tpu.memory_space<vmem>>[vector<16xi32>, vector<16xi32>], vector<16xf32>,
      %sub3A_1083 = arith.subf %mul3A_253, %gather3A_1067 : vector<16xf32>
      %sub3A_1084 = arith.subf %gather3A_1071, %gather3A_1067 : vector<16xf32>
      %div3A_1085 = arith.divf %sub3A_1083, %sub3A_1084 : vector<16xf32>
      %jit3A_1086 = arith.constant 0.000000e+00 : f32
      %jit3A_1087 = arith.constant 1.000000e+00 : f32
      %max3A_1088 = vector.broadcast %jit3A_1086 : f32 to vector<16xf32>
      %max3A_1089 = arith.maximumf %max3A_1088, %div3A_1085 : vector<16xf32>
      %min3A_1090 = vector.broadcast %jit3A_1087 : f32 to vector<16xf32>
      %min3A_1091 = arith.minimumf %min3A_1090, %max3A_1089 : vector<16xf32>
      %sub3A_1092 = arith.subf %gather3A_1082, %gather3A_1075 : vector<16xf32>
      %mul3A_1093 = arith.mulf %min3A_1091, %sub3A_1092 : vector<16xf32>
      %add3A_1094 = arith.addf %gather3A_1075, %mul3A_1093 : vector<16xf32>
      %le3A_1095 = arith.constant 128 : i32
      %le3A_1096 = vector.broadcast %le3A_1095 : i32 to vector<16xi32>
      %le3A_1097 = arith.cmpi sle, %add3A_63, %le3A_1096 : vector<16xi32>
      %mul3A_1098 = arith.constant 2 : i32
      %mul3A_1099 = vector.broadcast %mul3A_1098 : i32 to vector<16xi32>
      %mul3A_1100 = arith.muli %add3A_63, %mul3A_1099 : vector<16xi32>
      %sub3A_1101 = arith.constant 1 : i32
      %sub3A_1102 = vector.broadcast %sub3A_1101 : i32 to vector<16xi32>
      %sub3A_1103 = arith.subi %mul3A_1100, %sub3A_1102 : vector<16xi32>
      %jit3A_1104 = arith.constant 0 : i32
      %broadcast_in_dim3A_1105 = vector.broadcast %jit3A_1104 : i32 to vector<16xi32>
      %select_n3A_1106 = arith.select %le3A_1097, %sub3A_1103, %broadcast_in_dim3A_1105 : vector<16xi1>, vector<16xi32>
      tpu.vector_store_idx %arg9[%broadcast_in_dim3A_71, %select_n3A_1106], %add3A_1094 masked %le3A_1097 : memref<128x256xf32, #tpu.memory_space<vmem>>[vector<16xi32>, vector<16xi32>], vector<16xf32>, vector<16xi1>
    }
    %scan3A_69 = arith.constant 128 : i32
    "tpu.region"() ({
      %run_scoped3A = tpu.sem_alloc : memref<!tpu.dma_semaphore, #tpu.memory_space<semaphore_mem>>
      %dma_start3A_70 = arith.constant 0 : i32
      %dma_start3A_71 = tpu.memref_slice %arg5[%mul3A_2, %dma_start3A_70] : memref<4096x256xf32, #tpu.memory_space<hbm>> -> memref<128x256xf32, #tpu.memory_space<hbm>>
      %dma_start3A_72 = arith.constant 0 : i32
      %dma_start3A_73 = tpu.memref_slice %arg5[%mul3A_2, %dma_start3A_72] : memref<4096x256xf32, #tpu.memory_space<hbm>> -> memref<128x256xf32, #tpu.memory_space<hbm>>
      tpu.enqueue_dma source(%arg9 : memref<128x256xf32, #tpu.memory_space<vmem>>) target(%dma_start3A_73 : memref<128x256xf32, #tpu.memory_space<hbm>>) target_semaphore(%run_scoped3A : memref<!tpu.dma_semaphore, #tpu.memory_space<semaphore_mem>>)
      %dma_wait3A_74 = arith.constant 0 : i32
      %dma_wait3A_75 = tpu.memref_slice %arg5[%mul3A_2, %dma_wait3A_74] : memref<4096x256xf32, #tpu.memory_space<hbm>> -> memref<128x256xf32, #tpu.memory_space<hbm>>
      %dma_wait3A_76 = arith.constant 0 : i32
      %dma_wait3A_77 = tpu.memref_slice %arg5[%mul3A_2, %dma_wait3A_76] : memref<4096x256xf32, #tpu.memory_space<hbm>> -> memref<128x256xf32, #tpu.memory_space<hbm>>
      tpu.wait_dma2 semaphore(%run_scoped3A : memref<!tpu.dma_semaphore, #tpu.memory_space<semaphore_mem>>) src(%arg9 : memref<128x256xf32, #tpu.memory_space<vmem>>) dst(%dma_wait3A_77 : memref<128x256xf32, #tpu.memory_space<hbm>>)
      tpu.yield
    }) : () -> ()
    return
  }
}

</mosaic_0001>

<sc_bundles>
// kernel: _sc_call.3.cloned.1.call-start
scs
__scs_entry_jumppad:
0x0: {  	(pc) =	sbr.rel $0x88, $3  }
0x1: {  	(tag) =	ssettag $0x0;
	lr =	simm.s32 $0x1  }
0x2: {  	[smem:$0x3F9E] =	sst lr;
	_ =	strace $0xD0000000  }
0x3: {  	_ = 	snop  }
0x4: {  	_ = 	snop  }
0x5: {  	_ = 	snop  }
0x6: {  	_ = 	snop  }
0x7: {  	_ = 	snop  }
__scs_overlays_trampoline_lowered:
0x8: {  	[smem:$0x3FAD] =	sst s0  }
0x9: {  	[smem:$0x3FAE] =	sst s1  }
0xa: {  	[smem:$0x3FAF] =	sst s2  }
0xb: {  	[smem:$0x3FB0] =	sst s3  }
0xc: {  	[smem:$0x3FB1] =	sst s4  }
0xd: {  	[smem:$0x3FB2] =	sst s5  }
0xe: {  	[smem:$0x3FB3] =	sst s6  }
0xf: {  	[smem:$0x3FB4] =	sst s7  }
0x10: {  	[smem:$0x3FB5] =	sst s8  }
0x11: {  	[smem:$0x3FB6] =	sst s9;
	s0 =	simm.s32 @!p0 $0x0  }
0x12: {  	s1 =	sld [smem:$0x3F9C];
	s0 =	simm.s32 @p0 $0x1  }
0x13: {  	[smem:$0x3FB7] =	sst s0;
	s0 =	simm.s32 @!p1 $0x0  }
0x14: {  	s2 =	sld [smem:$0x3F9B];
	s0 =	simm.s32 @p1 $0x1  }
0x15: {  	[smem:$0x3FB8] =	sst s0;
	s0 =	simm.s32 @!p2 $0x0  }
0x16: {  	s3 =	sld [smem:$0x3FDB];
	s0 =	simm.s32 @p2 $0x1  }
0x17: {  	s4 =	simm.s32 $0x1BF5;
	[smem:$0x3FBA] =	sst s0  }
0x18: {  	s0 =	sld [smem:$0x3F9D];
	_ =	swait.ge [sflag:s4], $0x0  }
0x19: {  	s7 =	sld [smem:$0x3F9E]  }
0x1a: {  	s8 =	sadd.s32 $0xFFFFE003, lr  }
0x1b: {  	s9 =	sadd.s32 $0xFFFFFEF7, lr;
	s5 =	simm.s32 $0xFFFFFFFF;
	p2 =	slt.u32 s8, $0xFFFFF086  }
0x1c: {  	p1 =	slt.u32 s9, $0xF7A;
	s5 =	simm.s32 @!p2 $0x0  }
0x1d: {  	s5 =	simm.s32 @p1 $0x1;
	p0 =	seq.s32 s7, s2  }
0x1e: {  	s7 =	smul.u32 @!p0 $0xF7A, s2;
	p2 =	seq.s32 @!p0 s5, $0x0  }
0x1f: {  	s9 =	smul.u32 $0xF7A, s1;
	s8 =	simm.s32 @!p0 $0x1BF5;
	p2 =	por !p2, p0  }
0x20: {  	[sflag:s8] =	ssyncset.s32 @!p0 $0xFFFFF086;
	s6 =	sadd.s32 @!p0 s3, s7;
	s7 =	simm.s32 @!p0 $0x108  }
0x21: {  	s3 =	sadd.s32 s3, s9;
	s6 =	sadd.s32 @!p0 $0x88, s6;
	s7 =	simm.s32 @p2 $0x1082  }
0x22: {  	[simem:s7], [sflag:s8] =	dma.local @!p0 [hbm:s6], $0xF7A  }
0x23: {  	s9 =	sor.u32 $0xD0000000, s2;
	s6 =	simm.s32 $0x108;
	_ =	swait.ge @!p0 [sflag:s8], $0x0  }
0x24: {  	s3 =	sadd.s32 $0x88, s3;
	s6 =	simm.s32 @!p1 $0x1082;
	[sflag:s4] =	ssyncset.s32 $0xFFFFF086  }
0x25: {  	[simem:s6], [sflag:s4] =	dma.local [hbm:s3], $0xF7A  }
0x26: {  	[smem:$0x3F9E] =	sst s1;
	(tag) =	ssettag s2;
	_ =	strace s9  }
0x27: {  	s1 =	sld [smem:$0x3FAE]  }
0x28: {  	s2 =	sld [smem:$0x3FAF]  }
0x29: {  	s4 =	sld [smem:$0x3FB1]  }
0x2a: {  	p0 =	seq.s32 s5, $0x0;
	s5 =	sld [smem:$0x3FB2]  }
0x2b: {  	s6 =	sld [smem:$0x3FB3]  }
0x2c: {  	s7 =	sld [smem:$0x3FB4]  }
0x2d: {  	s3 =	simm.s32 $0x108;
	s8 =	sld [smem:$0x3FB5]  }
0x2e: {  	s3 =	simm.s32 @!p0 $0x1082;
	s9 =	sld [smem:$0x3FB6]  }
0x2f: {  	lr =	sadd.s32 s0, s3;
	s0 =	sld [smem:$0x3FAD]  }
0x30: {  	s3 =	sld [smem:$0x3FB0]  }
0x31: {  	[smem:$0x3FB9] =	sst s10  }
0x32: {  	s10 =	sld [smem:$0x3FB7];
	_ =	sdelay $0x3  }
0x33: {  	p0 =	seq.s32 s10, $0x1;
	s10 =	sld [smem:$0x3FB9];
	_ =	sdelay $0x3  }
0x34: {  	[smem:$0x3FB9] =	sst s10  }
0x35: {  	s10 =	sld [smem:$0x3FB8];
	_ =	sdelay $0x3  }
0x36: {  	p1 =	seq.s32 s10, $0x1;
	s10 =	sld [smem:$0x3FB9];
	_ =	sdelay $0x3  }
0x37: {  	[smem:$0x3FB9] =	sst s10  }
0x38: {  	s10 =	sld [smem:$0x3FBA]  }
0x39: {  	_ = 	snop;
	(pc) =	sbr.ind lr, $3  }
0x3a: {  	_ = 	snop  }
0x3b: {  	_ = 	snop  }
0x3c: {  	p2 =	seq.s32 s10, $0x1;
	s10 =	sld [smem:$0x3FB9]  }
0x3d: {  	_ =	shalt  }
0x3e: {  	_ =	shalt  }
0x3f: {  	_ =	shalt  }
0x40: {  	_ =	shalt  }
0x41: {  	_ =	shalt  }
0x42: {  	_ =	shalt  }
0x43: {  	_ =	shalt  }
0x44: {  	_ =	shalt  }
0x45: {  	_ =	shalt  }
0x46: {  	_ =	shalt  }
0x47: {  	_ =	shalt  }
0x48: {  	_ =	shalt  }
0x49: {  	_ =	shalt  }
0x4a: {  	_ =	shalt  }
0x4b: {  	_ =	shalt  }
0x4c: {  	_ =	shalt  }
0x4d: {  	_ =	shalt  }
0x4e: {  	_ =	shalt  }
0x4f: {  	_ =	shalt  }
0x50: {  	_ =	shalt  }
0x51: {  	_ =	shalt  }
0x52: {  	_ =	shalt  }
0x53: {  	_ =	shalt  }
0x54: {  	_ =	shalt  }
0x55: {  	_ =	shalt  }
0x56: {  	_ =	shalt  }
0x57: {  	_ =	shalt  }
0x58: {  	_ =	shalt  }
0x59: {  	_ =	shalt  }
0x5a: {  	_ =	shalt  }
0x5b: {  	_ =	shalt  }
0x5c: {  	_ =	shalt  }
0x5d: {  	_ =	shalt  }
0x5e: {  	_ =	shalt  }
0x5f: {  	_ =	shalt  }
0x60: {  	_ =	shalt  }
0x61: {  	_ =	shalt  }
0x62: {  	_ =	shalt  }
0x63: {  	_ =	shalt  }
0x64: {  	_ =	shalt  }
0x65: {  	_ =	shalt  }
0x66: {  	_ =	shalt  }
0x67: {  	_ =	shalt  }
0x68: {  	_ =	shalt  }
0x69: {  	_ =	shalt  }
0x6a: {  	_ =	shalt  }
0x6b: {  	_ =	shalt  }
0x6c: {  	_ =	shalt  }
0x6d: {  	_ =	shalt  }
0x6e: {  	_ =	shalt  }
0x6f: {  	_ =	shalt  }
0x70: {  	_ =	shalt  }
0x71: {  	_ =	shalt  }
0x72: {  	_ =	shalt  }
0x73: {  	_ =	shalt  }
0x74: {  	_ =	shalt  }
0x75: {  	_ =	shalt  }
0x76: {  	_ =	shalt  }
0x77: {  	_ =	shalt  }
0x78: {  	_ =	shalt  }
0x79: {  	_ =	shalt  }
0x7a: {  	_ =	shalt  }
0x7b: {  	_ =	shalt  }
0x7c: {  	_ =	shalt  }
0x7d: {  	_ =	shalt  }
0x7e: {  	_ =	shalt  }
0x7f: {  	_ =	shalt  }
0x80: {  	_ =	shalt  }
0x81: {  	_ =	shalt  }
0x82: {  	_ =	shalt  }
0x83: {  	_ =	shalt  }
0x84: {  	_ =	shalt  }
0x85: {  	_ =	shalt  }
0x86: {  	_ =	shalt  }
0x87: {  	_ =	shalt  }
.Lfunc_end0:
.L_simem_size_0:
called_computation_lowered:
.L_overlay_start_0:
0x88: {  	s2 =	sld [smem:$0x3FD9]  }
0x89: {  	s3 =	sld [smem:$0x3FFE];
	_ =	sdelay $0x1  }
0x8a: {  	s1 =	srdreg.scid  }
0x8b: {  	s0 =	sand.u32 $0x1, s1  }
0x8c: {  	s17 =	sshll.u32 s0, $0xA;
	s2 =	sadd.s32 s3, s2  }
0x8d: {  	s2 =	sadd.s32 s2, s17  }
0x8e: {  	[smem:$0x3FC5] =	sst s2  }
0x8f: {  	_ = 	snop  }
0x90: {  	s2 =	sld [smem:$0x3FC8]  }
0x91: {  	s18 =	sld [smem:$0x3FC7]  }
0x92: {  	s4 =	sld [smem:$0x3FD0];
	(tm) =	ssettm $0x1  }
0x93: {  	s5 =	sld [smem:$0x3FFB];
	_ =	sdelay $0x3  }
0x94: {  	_ =	strace s5  }
0x95: {  	s5 =	sld [smem:$0x3FFC];
	_ =	sdelay $0x3  }
0x96: {  	_ =	strace s5  }
0x97: {  	s5 =	sld [smem:$0x3FFD];
	_ =	sdelay $0x3  }
0x98: {  	_ =	strace s5  }
0x99: {  	_ =	strace $0x8FFFFFFF  }
0x9a: {  	s19 =	sld [smem:$0x3FDB];
	_ =	sdelay $0x1  }
0x9b: {  	s6 =	simm.s32 $_scs_section_size  }
0x9c: {  	s7 =	simm.s32 $_size__tile_overlayer_lowered;
	s8 =	simm.s32 $_tile_overlayer_lowered  }
0x9d: {  	s22 =	simm.s32 $0x1BFF;
	s21 =	sshll.u32 s8, $0x1;
	s5 =	sadd.s32 s6, s19  }
0x9e: {  	s9 =	simm.s32 $0x0;
	s20 =	sshll.u32 s7, $0x1;
	s7 =	sadd.s32 s21, s5  }
0x9f: {  	[timem:s9], [sflag:s22] =	dma.local [hbm:s7], s20  }
0xa0: {  	_ =	swait.ge [sflag:s22], s20  }
0xa1: {  	s6 =	ssub.s32 $0x0, s20;
	[sflag:s22] =	ssyncset.done $0x0  }
0xa2: {  	[sflag:s22] =	ssyncadd.s32 s6;
	_ =	sdelay $0x1  }
0xa3: {  	s23 =	simm.s32 $0x1B8B  }
0xa4: {  	_ =	swait.ge [sflag:s23], $0x1  }
0xa5: {  	[sflag:s23] =	ssyncset.done $0x0  }
0xa6: {  	s25 =	simm.s32 $0x1B8E;
	s24 =	sld [smem:$0x3FFE];
	[sflag:s23] =	ssyncadd.s32 $0xFFFFFFFF  }
0xa7: {  	s26 =	simm.s32 $execute0_lowered;
	[smem:$0x3FD2] =	sst s25  }
0xa8: {  	s7 =	sshll.u32 s26, $0x1;
	_ =	strace $0x80000046;
	[dreg:$0x1] =	wrdreg $0xFFFFFFFF  }
0xa9: {  	s28 =	simm.s32 $_size_execute0_lowered;
	s5 =	sadd.s32 s5, s7;
	[dreg:$0x0] =	wrdreg $0x0  }
0xaa: {  	s7 =	sshll.u32 s28, $0x1;
	[dreg:$0x2] =	wrdreg s5  }
0xab: {  	[dreg:$0x3] =	wrdreg s7  }
0xac: {  	[dreg:$0x4] =	wrdreg $0xC0  }
0xad: {  	_ =	task [dreg:s9], $0x5FFFF  }
0xae: {  	[dreg:$0x1] =	wrdreg $0xFFFFFFFF  }
0xaf: {  	[dreg:$0x0] =	wrdreg $0x60  }
0xb0: {  	[dreg:$0x2] =	wrdreg s24  }
0xb1: {  	[dreg:$0x3] =	wrdreg s2  }
0xb2: {  	[dreg:$0x4] =	wrdreg s18  }
0xb3: {  	[dreg:$0x5] =	wrdreg s4  }
0xb4: {  	[dreg:$0x6] =	wrdreg $0x9  }
0xb5: {  	_ =	task.clear_ibuf [dreg:s9], $0x7FFFF;
	_ =	strace $0x90000046  }
0xb6: {  	s29 =	simm.s32 $0x9;
	_ =	strace $0x80000048  }
0xb7: {  	_ =	swait.ge [sflag:s29], $0x1  }
0xb8: {  	[sflag:s29] =	ssyncadd.s32 $0xFFFFFFFF  }
0xb9: {  	_ =	strace $0x90000048  }
0xba: {  	_ =	sfence  }
0xbb: {  	s30 =	sld [smem:$0x0];
	_ =	sdelay $0x2  }
0xbc: {  	s31 =	sshll.u32 s1, $0xD;
	s1 =	sshrl.u32 s1, $0x2  }
0xbd: {  	s3 =	sand.u32 $0x4000, s31;
	s1 =	sadd.s32 s1, s30  }
0xbe: {  	s0 =	sor.u32 s3, s0;
	s1 =	sshll.u32 s1, $0x11  }
0xbf: {  	s0 =	sor.u32 s1, s0  }
0xc0: {  	s0 =	sadd.s32 $0x8F2B, s0  }
0xc1: {  	[sflag:s0] =	ssyncadd.remote.s32 $0x1  }
0xc2: {  	_ =	sfence.sel $0xFFFF  }
0xc3: {  	[dreg:$0x0] =	wrdreg $0xFFFFFFFF;
	(pc) =	sbr.abs _section_cstart, $3  }
0xc4: {  	[dreg:$0x1] =	wrdreg $0xFFFFFFFF  }
0xc5: {  	_ =	task.clear_ibuf [dreg:s9], $0x2FFFF;
	_ =	strace $0x9FFFFFFF  }
0xc6: {  	(tm) =	ssettm $0x7FFFFFFF  }
0xc7: {  	_ =	shalt  }
tec
execute0_lowered:
.L_overlay_start_1:
0x0: {  	(tag) =	ssettag $0x1  }
0x1: {  	v0 =	vimm.s32 $0x65432100;
	v1 =	vimm.s32 $0xEDCBA987  }
0x2: {  	v2 =	vimm.s32 $0x3C3B3A39;
	v4 =	vimm.s32 $0x34333231;
	v5 =	vimm.s32 $0x38373635  }
0x3: {  	vm0 =	vcmask $0x1F10;
	v7 =	vimm.s32 $0xDB975310;
	v8 =	vimm.s32 $0x1513110F  }
0x4: {  	v9 =	vimm.s32 $0x1D1B1917;
	v11 =	vlaneseq.u32;
	vm1 =	vcmask $0x300  }
0x5: {  	vm2 =	vcmask $0xB08;
	v22 =	vimm.s32 $0x115;
	v25 =	vimm.s32 $0x116  }
0x6: {  	v28 =	vimm.s32 $0x117;
	v31 =	vimm.s32 $0x118;
	v0 =	vunpack.c.l.s4.s8 v0  }
0x7: {  	v1 =	vunpack.c.l.s4.s8 v1;
	v2 =	vunpack.c.0.s8.s32 v2;
	v4 =	vunpack.c.0.s8.s32 v4  }
0x8: {  	v5 =	vunpack.c.0.s8.s32 v5;
	v10 =	vunpack.c.l.s4.s8 v7;
	v12 =	vunpack.c.0.s8.s32 v8  }
0x9: {  	v9 =	vunpack.c.0.s8.s32 v9;
	v8 =	vmul.u32 $0x2, v11;
	v11 =	vimm.s32 $0x41D  }
0xa: {  	v7 =	vimm.s32 $0x110;
	v11 =	vsel vm1, $0x7F, v11;
	v3 =	vunpack.c.0.s8.s32 v0  }
0xb: {  	v1 =	vunpack.c.0.s8.s32 v1;
	v0 =	vimm.s32 $0x3F3F3E3D;
	v10 =	vunpack.c.0.s8.s32 v10  }
0xc: {  	v9 =	vsel vm0, v9, v12;
	v23 =	vor.u32 $0x420, v8;
	v24 =	vadd.s32 $0x41F, v8  }
0xd: {  	v26 =	vor.u32 $0x440, v8;
	v27 =	vadd.s32 $0x43F, v8;
	v29 =	vor.u32 $0x460, v8  }
0xe: {  	v30 =	vadd.s32 $0x45F, v8;
	v6 =	vunpack.c.0.s8.s32 v0;
	v1 =	vand.u32 $0xF, v1  }
0xf: {  	v0 =	vimm.f32 $0.0e+00;
	v10 =	vand.u32 $0xF, v10;
	v1 =	vcombine.low v3, v1  }
0x10: {  	v2 =	vsel vm0, v6, v2;
	v3 =	vsel vm0, v5, v4;
	v4 =	vimm.s32 $0x40  }
0x11: {  	v5 =	vimm.s32 $0x0;
	v6 =	vimm.s32 $0x1;
	vm0 =	vcmask $0x704  }
0x12: {  	s3 =	rddreg [dreg:$0x0];
	v9 =	vcombine.low v10, v9;
	v2 =	vcombine.low v3, v2;
	v10 =	vsel vm0, $0x401, v11  }
0x13: {  	s4 =	rddreg [dreg:$0x1];
	v3 =	vimm.s32 $0xF;
	v11 =	vsel vm2, $0x403, v10;
	vm2 =	vcmask $0xF0C  }
0x14: {  	s5 =	rddreg [dreg:$0x2];
	vm0 =	vcmask $0x3F04;
	v12 =	vsel vm2, $0x405, v11;
	vm2 =	vcmask $0x1310  }
0x15: {  	s1 =	srdreg.scid;
	s0 =	stileid.u32;
	v32 =	vsel vm1, $0x47F, v5;
	v13 =	vsel vm2, $0x407, v12;
	vm2 =	vcmask $0x1714  }
0x16: {  	s6 =	rddreg [dreg:$0x3];
	s2 =	simm.s32 $0x0;
	s12 =	simm.s32 $0x14800;
	v10 =	vimm.s32 $0x111;
	v14 =	vsel vm2, $0x409, v13;
	vm2 =	vcmask $0x1B18  }
0x17: {  	s13 =	simm.s32 $0x14900;
	s14 =	simm.s32 $0x14B00;
	s15 =	simm.s32 $0xC800;
	v11 =	vor.u32 $0x20, v8;
	v15 =	vsel vm2, $0x40B, v14;
	vm2 =	vcmask $0x1F1C  }
0x18: {  	s16 =	simm.s32 $0x2;
	s7 =	sand.u32 $0x1, s1;
	s1 =	rddreg [dreg:$0x4];
	v12 =	vadd.s32 $0x1F, v8;
	v16 =	vsel vm2, $0x40D, v15;
	vm2 =	vcmask $0x2320  }
0x19: {  	s17 =	simm.s32 $0x0;
	s8 =	sshll.u32 s0, $0x1;
	[smem:$0x7FF] =	sst s2;
	v13 =	vimm.s32 $0x112;
	v17 =	vsel vm2, $0x40F, v16;
	vm2 =	vcmask $0x2724  }
0x1a: {  	s8 =	sor.u32 s7, s8;
	s7 =	ssub.s32 $0x2, s7;
	_ =	strace $0x80000047;
	v14 =	vor.u32 $0x40, v8;
	v18 =	vsel vm2, $0x411, v17;
	vm2 =	vcmask $0x2B28  }
0x1b: {  	s9 =	sshll.u32 s8, $0xB;
	s10 =	sshrl.u32 s7, $0x1;
	s11 =	smul.u32 $0x900, s8;
	v15 =	vadd.s32 $0x3F, v8;
	v19 =	vsel vm2, $0x413, v18;
	vm2 =	vcmask $0x2F2C  }
0x1c: {  	s8 =	sshll.u32 s8, $0xC;
	s3 =	sadd.s32 s9, s3;
	s7 =	ssub.s32 s7, s10;
	v16 =	vimm.s32 $0x113;
	v20 =	vsel vm2, $0x415, v19;
	vm2 =	vcmask $0x3330  }
0x1d: {  	s4 =	sadd.s32 s4, s9;
	s6 =	sadd.s32 s6, s8;
	s8 =	simm.s32 $0x4000;
	v17 =	vor.u32 $0x60, v8;
	v21 =	vsel vm2, $0x417, v20;
	vm2 =	vcmask $0x3734  }
0x1e: {  	s9 =	simm.s32 $0x8000;
	s10 =	simm.s32 $0x1;
	s3 =	sadd.s32 $0x400, s3;
	v18 =	vadd.s32 $0x5F, v8;
	v21 =	vsel vm2, $0x419, v21;
	vm2 =	vcmask $0x3B38  }
0x1f: {  	s5 =	sadd.s32 s5, s11;
	s7 =	smax.u32 s7, $0x1;
	s11 =	simm.s32 $0x14D00;
	v19 =	vimm.s32 $0x114;
	v20 =	vor.u32 $0x400, v8;
	v21 =	vsel vm2, $0x41B, v21  }
.LBB2_1:
0x20: {  	[tilespmem:s2], [sflag:$0x1] =	stream.linear.gather [hbm4b:s3+s2], $0x4000, $0x38;
	[tilespmem:$0x14E00] =	vst v63  }
0x21: {  	_ = 	snop  }
0x22: {  	[tilespmem:s8], [sflag:$0x1] =	stream.linear.gather [hbm4b:s4+s2], $0x4000, $0x38;
	[tilespmem:$0x14E00] =	vst v63  }
0x23: {  	_ = 	snop  }
0x24: {  	[tilespmem:s9], [sflag:$0x1] =	stream.linear.gather [hbm4b:s5+s2], $0x4800, $0x38;
	[tilespmem:$0x14E00] =	vst v63  }
0x25: {  	_ =	swait.ge [sflag:s10], $0x4000  }
0x26: {  	[sflag:s10] =	ssyncset.done $0x0  }
0x27: {  	[sflag:s10] =	ssyncadd.s32 $0xFFFFC000  }
0x28: {  	_ =	swait.ge [sflag:s10], $0x4000  }
0x29: {  	[sflag:s10] =	ssyncset.done $0x0  }
0x2a: {  	[sflag:s10] =	ssyncadd.s32 $0xFFFFC000  }
0x2b: {  	_ =	swait.ge [sflag:s10], $0x4800  }
0x2c: {  	[sflag:s10] =	ssyncset.done $0x0  }
0x2d: {  	s18 =	simm.s32 $0x1F;
	[sflag:s10] =	ssyncadd.s32 $0xFFFFB800  }
0x2e: {  	s19 =	simm.s32 $0x8040;
	s20 =	simm.s32 $0x0;
	s21 =	simm.s32 $0x0;
	[tilespmem:$0x14800] =	vst v0  }
.LBB2_2:
0x2f: {  	v35 =	vld [tilespmem:s18+$0xFFFFFFE1]  }
0x30: {  	v36 =	vld [tilespmem:s18+$0xFFFFFFE2]  }
0x31: {  	v41 =	vmov s21;
	v37 =	vld [tilespmem:s18+$0xFFFFFFF1]  }
0x32: {  	v38 =	vld [tilespmem:s18+$0xFFFFFFF0];
	v33 =	vshll.u32 v41, $0x7  }
0x33: {  	v39 =	vld [tilespmem:s18+$0xFFFFFFF2];
	v34 =	vor.u32 v1, v33  }
0x34: {  	v40 =	vld [tilespmem:s18+$0x1]  }
0x35: {  	v43 =	vld [tilespmem:s18+$0x0];
	v42 =	vor.u32 v2, v33  }
0x36: {  	v44 =	vld [tilespmem:s18+$0x2]  }
0x37: {  	v45 =	vld [tilespmem:s18+$0x11]  }
0x38: {  	v34 =	vld.idx.msk [tilespmem:v34+s2+$0x0], $0xffff  }
0x39: {  	v46 =	vld [tilespmem:s18+$0x10]  }
0x3a: {  	v53 =	vld.idx.msk [tilespmem:v42+s2+$0x0], $0xffff;
	_ =	sdelay $0x1  }
0x3b: {  	v54 =	vmax.f32 v38, v37  }
0x3c: {  	v37 =	vmax.f32 v37, v39;
	v34 =	vmax.f32 v34, v35;
	v35 =	vmax.f32 v35, v36  }
0x3d: {  	v55 =	vmax.f32 v43, v40;
	v34 =	vadd.f32 v35, v34;
	v35 =	vadd.f32 v37, v54  }
0x3e: {  	v56 =	vmax.f32 v40, v44;
	v57 =	vmax.f32 v46, v45;
	v36 =	vmax.f32 v45, v53  }
0x3f: {  	v37 =	vadd.f32 v56, v55;
	v34 =	vmul.f32 $5.000000000e-01, v34;
	v35 =	vmul.f32 $5.000000000e-01, v35  }
0x40: {  	v36 =	vadd.f32 v36, v57  }
0x41: {  	v59 =	vmul.f32 $5.000000000e-01, v37;
	v34 =	vadd.f32 $9.999999770e-03, v34;
	v58 =	vadd.f32 $9.999999770e-03, v35;
	_ =	sdelay $0x1  }
0x42: {  	v61 =	vmul.f32 $5.000000000e-01, v36;
	v60 =	vadd.f32 $9.999999770e-03, v59;
	v62 =	vadd.f32 v58, v34;
	_ =	sdelay $0x1  }
0x43: {  	v63 =	vadd.f32 $9.999999770e-03, v61;
	v36 =	vadd.f32 v60, v62;
	_ =	sdelay $0x1  }
0x44: {  	v35 =	vadd.f32 v63, v36;
	_ =	sdelay $0x1  }
0x45: {  	(xrf2) =	vadd.scan.msk.f32 $0xffff, v35;
	_ =	sdelay $0x9  }
0x46: {  	v35, _, _ =	vpop (xrf2)  }
0x47: {  	[tilespmem:$0x14D00] =	vst v35  }
0x48: {  	v47 =	vld.idx.msk [tilespmem:v3+s11+$0x0], $0xffff  }
0x49: {  	v35 =	vld [tilespmem:s19+$0xFFFFFFC0];
	_ =	sdelay $0x4  }
0x4a: {  	v43 =	vmul.f32 v35, v47;
	_ =	sdelay $0x1  }
0x4b: {  	[tilespmem:$0x14900] =	vst v43  }
0x4c: {  	v37 =	vld [tilespmem:s19+$0xFFFFFFD0];
	_ =	sdelay $0x4  }
0x4d: {  	v42 =	vmul.f32 v37, v47;
	_ =	sdelay $0x1  }
0x4e: {  	[tilespmem:$0x14910] =	vst v42  }
0x4f: {  	v38 =	vld [tilespmem:s19+$0xFFFFFFE0];
	_ =	sdelay $0x4  }
0x50: {  	v40 =	vmul.f32 v38, v47;
	_ =	sdelay $0x1  }
0x51: {  	[tilespmem:$0x14920] =	vst v40  }
0x52: {  	v39 =	vld [tilespmem:s19+$0xFFFFFFF0];
	_ =	sdelay $0x4  }
0x53: {  	v39 =	vmul.f32 v39, v47;
	_ =	sdelay $0x1  }
0x54: {  	[tilespmem:$0x14930] =	vst v39  }
0x55: {  	v48 =	vld [tilespmem:s19+$0x0];
	_ =	sdelay $0x4  }
0x56: {  	v38 =	vmul.f32 v48, v47;
	_ =	sdelay $0x1  }
0x57: {  	[tilespmem:$0x14940] =	vst v38  }
0x58: {  	v49 =	vld [tilespmem:s19+$0x10];
	_ =	sdelay $0x4  }
0x59: {  	v37 =	vmul.f32 v49, v47;
	_ =	sdelay $0x1  }
0x5a: {  	[tilespmem:$0x14950] =	vst v37  }
0x5b: {  	v50 =	vld [tilespmem:s19+$0x20];
	_ =	sdelay $0x4  }
0x5c: {  	v36 =	vmul.f32 v50, v47;
	_ =	sdelay $0x1  }
0x5d: {  	[tilespmem:$0x14960] =	vst v36  }
0x5e: {  	v51 =	vld [tilespmem:s19+$0x30]  }
0x5f: {  	(xrf2) =	vadd.scan.msk.f32 $0xffff, v34;
	_ =	sdelay $0x3  }
0x60: {  	v35 =	vmul.f32 v51, v47;
	_ =	sdelay $0x1  }
0x61: {  	s22 =	sand.u32 $0x7FF0, s20;
	[tilespmem:$0x14970] =	vst v35  }
0x62: {  	v52 =	vld [tilespmem:s22+$0x8080];
	_ =	sdelay $0x1  }
0x63: {  	(xrf2) =	vadd.scan.msk.f32 $0xffff, v58  }
0x64: {  	v48, _, _ =	vpop (xrf2)  }
0x65: {  	v53 =	vadd.f32 $0.0e+00, v48  }
0x66: {  	v34 =	vmul.f32 v52, v47  }
0x67: {  	[tilespmem:$0x14D00] =	vst v53  }
0x68: {  	[tilespmem:$0x14A00] =	vst v34  }
0x69: {  	v49 =	vld.idx.msk [tilespmem:v3+s11+$0x0], $0xffff;
	_ =	sdelay $0x1  }
0x6a: {  	(xrf2) =	vadd.scan.msk.f32 $0xffff, v60;
	_ =	sdelay $0x1  }
0x6b: {  	v54, _, _ =	vpop (xrf2)  }
0x6c: {  	v49 =	vadd.f32 v49, v54  }
0x6d: {  	[tilespmem:$0x14801] =	vst v53  }
0x6e: {  	(erf) = vrcp.f32 v47;
	[tilespmem:$0x14D00] =	vst v49  }
0x6f: {  	v55 =	vld.idx.msk [tilespmem:v3+s11+$0x0], $0xffff;
	_ =	sdelay $0x1  }
0x70: {  	(xrf2) =	vadd.scan.msk.f32 $0xffff, v63;
	_ =	sdelay $0x1  }
0x71: {  	v56, _, _ =	vpop (xrf2)  }
0x72: {  	v45 =	vadd.f32 v55, v56  }
0x73: {  	[tilespmem:$0x14811] =	vst v49  }
0x74: {  	[tilespmem:$0x14D00] =	vst v45  }
0x75: {  	v57 =	vpop (erf);
	v50 =	vld.idx.msk [tilespmem:v3+s11+$0x0], $0xffff  }
0x76: {  	v46 =	vmul.f32 $1.290000000e+02, v57;
	_ =	sdelay $0x1  }
0x77: {  	v51 =	vmul.f32 v46, v53  }
0x78: {  	v58, _, _ =	vpop (xrf2)  }
0x79: {  	v59 =	vtrunc.f32 v51;
	v44 =	vadd.f32 v50, v58  }
0x7a: {  	[tilespmem:$0x14821] =	vst v45;
	v50 =	vcvt.f32.s32 v59  }
0x7b: {  	[tilespmem:$0x14D00] =	vst v44  }
0x7c: {  	[tilespmem:$0x14831] =	vst v44;
	v50 =	vadd.s32 $0xFFFFFFFF, v50  }
0x7d: {  	[tilespmem:v4+s12+$0x0] =	vst.idx.msk $0x1, v47;
	vm1 =	vgt.s32 v50, $0x0  }
0x7e: {  	[tilespmem:$0x14B00] =	vst v5;
	v60 =	vnsel vm1, $0x0, v50  }
0x7f: {  	[tilespmem:$0x14B10] =	vst v5;
	v61 =	vmin.u32 v60, $0x80;
	v52 =	vadd.s32 $0x1, v60  }
0x80: {  	[tilespmem:$0x14B20] =	vst v5;
	v55 =	vadd.s32 $0x2, v60;
	v51 =	vshll.u32 v61, $0x1;
	vm1 =	vlt.s32 v52, $0x80  }
0x81: {  	[tilespmem:$0x14B30] =	vst v5;
	v53 =	vand.u32 $0x7F, v61;
	v51 =	vand.u32 $0x100, v51;
	v54 =	vnsel vm1, $0x80, v52  }
0x82: {  	[tilespmem:$0x14B40] =	vst v5;
	vm1 =	vlt.s32 v55, $0x80;
	v51 =	vor.u32 v53, v51;
	v62 =	vshll.u32 v54, $0x1  }
0x83: {  	[tilespmem:$0x14B50] =	vst v5;
	v54 =	vand.u32 $0x7F, v54;
	v56 =	vnsel vm1, $0x80, v55;
	v53 =	vand.u32 $0xFFFFFF00, v62  }
0x84: {  	[tilespmem:$0x14B60] =	vst v5;
	v63 =	vshll.u32 v56, $0x1;
	v53 =	vor.u32 v54, v53  }
0x85: {  	[tilespmem:$0x14B70] =	vst v5;
	v56 =	vand.u32 $0x7F, v56;
	v54 =	vand.u32 $0xFFFFFF00, v63  }
0x86: {  	[tilespmem:$0x14C00] =	vst v5;
	v54 =	vor.u32 v56, v54  }
0x87: {  	[tilespmem:$0x14C10] =	vst v5  }
0x88: {  	v51 =	vld.idx.msk [tilespmem:v51+s13+$0x0], $0xffff  }
0x89: {  	v53 =	vld.idx.msk [tilespmem:v53+s13+$0x0], $0xffff;
	_ =	sdelay $0x1  }
0x8a: {  	v54 =	vld.idx.msk [tilespmem:v54+s13+$0x0], $0xffff;
	_ =	sdelay $0x1  }
0x8b: {  	vm2 =	vlt.s32 v50, $0x81;
	vm1 =	vlt.f32 v51, v48  }
0x8c: {  	vm3 =	vlt.s32 v52, $0x81;
	vm1 =	vmand vm2, vm1;
	vm2 =	vlt.f32 v53, v48  }
0x8d: {  	v53 =	vsel vm1, $0x1, v5;
	vm1 =	vmand vm3, vm2  }
0x8e: {  	vm2 =	vlt.f32 v54, v48;
	vm3 =	vlt.s32 v55, $0x81;
	v54 =	vmul.f32 v49, v46  }
0x8f: {  	v47 =	vadd.s32 v53, v60;
	v55 =	vsel vm1, $0x1, v5;
	vm1 =	vmand vm3, vm2  }
0x90: {  	v47 =	vadd.s32 v55, v47;
	v56 =	vsel vm1, $0x1, v5;
	v48 =	vtrunc.f32 v54  }
0x91: {  	v47 =	vadd.s32 v56, v47;
	v48 =	vcvt.f32.s32 v48  }
0x92: {  	v50 =	vand.u32 $0x7F, v47;
	v57 =	vshll.u32 v47, $0x1;
	v47 =	vshra.s32 v47, $0x4  }
0x93: {  	v51 =	vand.u32 $0xFFFFFF00, v57;
	v47 =	vadd.s32 $0x91, v47  }
0x94: {  	v48 =	vadd.s32 $0xFFFFFFFF, v48;
	v50 =	vor.u32 v50, v51;
	v58 =	vshll.u32 v47, $0x1  }
0x95: {  	vm1 =	vgt.s32 v48, $0x0;
	v47 =	vand.u32 $0x7F, v47;
	v51 =	vand.u32 $0xFFFFFF00, v58  }
0x96: {  	v52 =	vnsel vm1, $0x0, v48;
	v47 =	vor.u32 v47, v51  }
0x97: {  	v59 =	vmin.u32 v52, $0x80;
	v53 =	vadd.s32 $0x1, v52;
	v56 =	vadd.s32 $0x2, v52  }
0x98: {  	v60 =	vand.u32 $0x7F, v59;
	v51 =	vshll.u32 v59, $0x1;
	vm1 =	vlt.s32 v53, $0x80  }
0x99: {  	v51 =	vand.u32 $0x100, v51;
	v61 =	vnsel vm1, $0x80, v53;
	vm1 =	vlt.s32 v56, $0x80  }
0x9a: {  	v51 =	vor.u32 v60, v51;
	v62 =	vshll.u32 v61, $0x1;
	v57 =	vnsel vm1, $0x80, v56  }
0x9b: {  	v55 =	vand.u32 $0x7F, v61;
	v54 =	vand.u32 $0xFFFFFF00, v62;
	v63 =	vshll.u32 v57, $0x1  }
0x9c: {  	v57 =	vand.u32 $0x7F, v57;
	v54 =	vor.u32 v55, v54;
	v55 =	vand.u32 $0xFFFFFF00, v63  }
0x9d: {  	[tilespmem:v50+s14+$0x0] =	vst.idx.add.s32.msk $0xffff, v6;
	v60 =	vor.u32 v57, v55  }
0x9e: {  	[tilespmem:v47+s14+$0x0] =	vst.idx.add.s32.msk $0xffff, v6  }
0x9f: {  	v47 =	vld.idx.msk [tilespmem:v51+s13+$0x0], $0xffff;
	_ =	sdelay $0x1  }
0xa0: {  	v61 =	vld.idx.msk [tilespmem:v54+s13+$0x0], $0xffff  }
0xa1: {  	v50 =	vld.idx.msk [tilespmem:v60+s13+$0x0], $0xffff  }
0xa2: {  	v63 =	vmul.f32 v45, v46  }
0xa3: {  	vm2 =	vlt.s32 v48, $0x81;
	vm1 =	vlt.f32 v47, v49  }
0xa4: {  	vm3 =	vlt.s32 v53, $0x81;
	v48 =	vtrunc.f32 v63;
	vm1 =	vmand vm2, vm1  }
0xa5: {  	v48 =	vcvt.f32.s32 v48;
	vm2 =	vlt.f32 v61, v49;
	v62 =	vsel vm1, $0x1, v5  }
0xa6: {  	vm1 =	vmand vm3, vm2;
	vm2 =	vlt.f32 v50, v49;
	vm3 =	vlt.s32 v56, $0x81  }
0xa7: {  	v47 =	vadd.s32 v62, v52;
	v52 =	vsel vm1, $0x1, v5;
	vm1 =	vmand vm3, vm2  }
0xa8: {  	v48 =	vadd.s32 $0xFFFFFFFF, v48;
	v47 =	vadd.s32 v52, v47;
	v53 =	vsel vm1, $0x1, v5  }
0xa9: {  	vm1 =	vgt.s32 v48, $0x0;
	v47 =	vadd.s32 v53, v47  }
0xaa: {  	v51 =	vnsel vm1, $0x0, v48;
	v49 =	vand.u32 $0x7F, v47  }
0xab: {  	v54 =	vshll.u32 v47, $0x1;
	v47 =	vshra.s32 v47, $0x4;
	v56 =	vmin.u32 v51, $0x80  }
0xac: {  	v52 =	vadd.s32 $0x1, v51;
	v50 =	vand.u32 $0xFFFFFF00, v54;
	v47 =	vadd.s32 $0x91, v47  }
0xad: {  	v57 =	vand.u32 $0x7F, v56;
	vm1 =	vlt.s32 v52, $0x80;
	v49 =	vor.u32 v49, v50  }
0xae: {  	v55 =	vshll.u32 v47, $0x1;
	v47 =	vand.u32 $0x7F, v47;
	v58 =	vnsel vm1, $0x80, v52  }
0xaf: {  	v50 =	vand.u32 $0xFFFFFF00, v55;
	v55 =	vadd.s32 $0x2, v51;
	v59 =	vshll.u32 v58, $0x1  }
0xb0: {  	v47 =	vor.u32 v47, v50;
	v50 =	vshll.u32 v56, $0x1;
	vm1 =	vlt.s32 v55, $0x80  }
0xb1: {  	v54 =	vand.u32 $0x7F, v58;
	v50 =	vand.u32 $0x100, v50;
	v60 =	vnsel vm1, $0x80, v55  }
0xb2: {  	v53 =	vand.u32 $0xFFFFFF00, v59;
	v50 =	vor.u32 v57, v50;
	v61 =	vshll.u32 v60, $0x1  }
0xb3: {  	v53 =	vor.u32 v54, v53;
	v56 =	vand.u32 $0x7F, v60;
	v54 =	vand.u32 $0xFFFFFF00, v61  }
0xb4: {  	v62 =	vor.u32 v56, v54  }
0xb5: {  	[tilespmem:v49+s14+$0x0] =	vst.idx.add.s32.msk $0xffff, v6  }
0xb6: {  	[tilespmem:v47+s14+$0x0] =	vst.idx.add.s32.msk $0xffff, v6  }
0xb7: {  	v47 =	vld.idx.msk [tilespmem:v50+s13+$0x0], $0xffff  }
0xb8: {  	v63 =	vld.idx.msk [tilespmem:v53+s13+$0x0], $0xffff  }
0xb9: {  	v49 =	vld.idx.msk [tilespmem:v62+s13+$0x0], $0xffff;
	_ =	sdelay $0x2  }
0xba: {  	vm2 =	vlt.s32 v48, $0x81;
	vm3 =	vlt.s32 v52, $0x81;
	vm1 =	vlt.f32 v47, v45  }
0xbb: {  	v54 =	vmul.f32 v44, v46;
	vm1 =	vmand vm2, vm1;
	vm2 =	vlt.f32 v63, v45  }
0xbc: {  	v53 =	vsel vm1, $0x1, v5;
	vm1 =	vmand vm3, vm2;
	vm2 =	vlt.f32 v49, v45  }
0xbd: {  	vm3 =	vlt.s32 v55, $0x81;
	v45 =	vtrunc.f32 v54;
	v55 =	vadd.s32 v53, v51  }
0xbe: {  	v56 =	vsel vm1, $0x1, v5;
	vm1 =	vmand vm3, vm2;
	v45 =	vcvt.f32.s32 v45  }
0xbf: {  	v46 =	vadd.s32 v56, v55;
	v57 =	vsel vm1, $0x1, v5  }
0xc0: {  	v46 =	vadd.s32 v57, v46;
	v45 =	vadd.s32 $0xFFFFFFFF, v45  }
0xc1: {  	v47 =	vand.u32 $0x7F, v46;
	v58 =	vshll.u32 v46, $0x1;
	v46 =	vshra.s32 v46, $0x4  }
0xc2: {  	vm1 =	vgt.s32 v45, $0x0;
	v48 =	vand.u32 $0xFFFFFF00, v58;
	v46 =	vadd.s32 $0x91, v46  }
0xc3: {  	v49 =	vnsel vm1, $0x0, v45;
	v47 =	vor.u32 v47, v48;
	v59 =	vshll.u32 v46, $0x1  }
0xc4: {  	v46 =	vand.u32 $0x7F, v46;
	v60 =	vmin.u32 v49, $0x80;
	v51 =	vadd.s32 $0x1, v49  }
0xc5: {  	v52 =	vadd.s32 $0x2, v49;
	v48 =	vand.u32 $0xFFFFFF00, v59;
	v61 =	vand.u32 $0x7F, v60  }
0xc6: {  	v50 =	vshll.u32 v60, $0x1;
	vm1 =	vlt.s32 v51, $0x80;
	v46 =	vor.u32 v46, v48  }
0xc7: {  	v50 =	vand.u32 $0x100, v50;
	v62 =	vnsel vm1, $0x80, v51;
	vm1 =	vlt.s32 v52, $0x80  }
0xc8: {  	v48 =	vor.u32 v61, v50;
	v63 =	vshll.u32 v62, $0x1;
	v57 =	vnsel vm1, $0x80, v52  }
0xc9: {  	v53 =	vand.u32 $0x7F, v62;
	v50 =	vand.u32 $0xFFFFFF00, v63;
	v58 =	vshll.u32 v57, $0x1  }
0xca: {  	v59 =	vand.u32 $0x7F, v57;
	v50 =	vor.u32 v53, v50;
	v60 =	vand.u32 $0xFFFFFF00, v58  }
0xcb: {  	[tilespmem:v47+s14+$0x0] =	vst.idx.add.s32.msk $0xffff, v6;
	v61 =	vor.u32 v59, v60  }
0xcc: {  	[tilespmem:v46+s14+$0x0] =	vst.idx.add.s32.msk $0xffff, v6  }
0xcd: {  	v46 =	vld.idx.msk [tilespmem:v48+s13+$0x0], $0xffff;
	_ =	sdelay $0x1  }
0xce: {  	v62 =	vld.idx.msk [tilespmem:v50+s13+$0x0], $0xffff  }
0xcf: {  	v47 =	vld.idx.msk [tilespmem:v61+s13+$0x0], $0xffff;
	_ =	sdelay $0x1  }
0xd0: {  	vm2 =	vlt.s32 v45, $0x81;
	vm1 =	vlt.f32 v46, v44  }
0xd1: {  	vm1 =	vmand vm2, vm1  }
0xd2: {  	vm2 =	vlt.s32 v51, $0x81;
	v63 =	vsel vm1, $0x1, v5;
	vm1 =	vlt.f32 v62, v44  }
0xd3: {  	vm3 =	vlt.s32 v52, $0x81;
	vm1 =	vmand vm2, vm1;
	vm2 =	vlt.f32 v47, v44  }
0xd4: {  	v45 =	vadd.s32 v63, v49;
	v50 =	vsel vm1, $0x1, v5;
	vm1 =	vmand vm3, vm2  }
0xd5: {  	v44 =	vadd.s32 v50, v45;
	v51 =	vsel vm1, $0x1, v5  }
0xd6: {  	v44 =	vadd.s32 v51, v44  }
0xd7: {  	v45 =	vshra.s32 v44, $0x4  }
0xd8: {  	v52 =	vshll.u32 v44, $0x1;
	v45 =	vadd.s32 $0x91, v45  }
0xd9: {  	v44 =	vand.u32 $0x7F, v44;
	v46 =	vand.u32 $0xFFFFFF00, v52;
	v53 =	vshll.u32 v45, $0x1  }
0xda: {  	v44 =	vor.u32 v44, v46;
	v45 =	vand.u32 $0x7F, v45;
	v54 =	vand.u32 $0xFFFFFF00, v53  }
0xdb: {  	v45 =	vor.u32 v45, v54;
	_ =	sdelay $0x3  }
0xdc: {  	[tilespmem:v44+s14+$0x0] =	vst.idx.add.s32.msk $0xffff, v6  }
0xdd: {  	[tilespmem:v45+s14+$0x0] =	vst.idx.add.s32.msk $0xffff, v6  }
0xde: {  	v44 =	vld [tilespmem:$0x14C10];
	_ =	sdelay $0x4  }
0xdf: {  	(xrf0) =	vadd.scan.msk.s32 $0xffff, v44  }
0xe0: {  	v55 =	vld [tilespmem:$0x14B00];
	_ =	sdelay $0x4  }
0xe1: {  	v56, _, _ =	vpop (xrf0);
	(xrf0) =	vadd.scan.msk.s32 $0xffff, v55  }
0xe2: {  	[tilespmem:$0x14C10] =	vst v56  }
0xe3: {  	v57 =	vld.idx.msk [tilespmem:v7+s14+$0x0], $0xffff;
	_ =	sdelay $0x3  }
0xe4: {  	v58, _, _ =	vpop (xrf0)  }
0xe5: {  	v44 =	vadd.s32 v57, v58  }
0xe6: {  	vm1 =	vlt.s32 v44, $0x3F  }
0xe7: {  	v44 =	vnsel vm1, $0x3F, v44  }
0xe8: {  	v59 =	vadd.s32 $0x1, v44;
	_ =	sdelay $0x3  }
0xe9: {  	v60 =	vld.idx.msk [tilespmem:v44+s12+$0x0], $0xffff  }
0xea: {  	v45 =	vld.idx.msk [tilespmem:v59+s12+$0x0], $0xffff;
	_ =	sdelay $0x2  }
0xeb: {  	v44 =	vshll.u32 v44, $0x1  }
0xec: {  	v61 =	vadd.s32 $0x2, v44  }
0xed: {  	vm1 =	vlt.s32 v61, $0x7F;
	v45 =	vsub.f32 v45, v60  }
0xee: {  	v62 =	vand.u32 $0xFFFFFF80, v44;
	v44 =	vand.u32 $0x7E, v44;
	v47 =	vnsel vm1, $0x7F, v61  }
0xef: {  	v48 =	vadd.s32 v33, v62;
	v63 =	vand.u32 $0xFFFFFF80, v47;
	(erf) = vrcp.f32 v45  }
0xf0: {  	v44 =	vor.u32 v44, v48;
	v48 =	vand.u32 $0x7F, v47;
	v49 =	vadd.s32 v33, v63  }
0xf1: {  	v45 =	vor.u32 v48, v49;
	_ =	sdelay $0x3  }
0xf2: {  	v44 =	vld.idx.msk [tilespmem:v44+s8+$0x0], $0xffff  }
0xf3: {  	v45 =	vld.idx.msk [tilespmem:v45+s8+$0x0], $0xffff  }
0xf4: {  	v43 =	vsub.f32 v43, v60  }
0xf5: {  	v50 =	vpop (erf)  }
0xf6: {  	v41 =	vshll.u32 v41, $0x8;
	v43 =	vmul.f32 v50, v43  }
0xf7: {  	v41 =	vand.u32 $0x7800, v41;
	v51 =	vand.u32 $0x380, v33  }
0xf8: {  	v41 =	vor.u32 v51, v41;
	v45 =	vsub.f32 v45, v44;
	v43 =	vmax.f32 v43, $0.0e+00  }
0xf9: {  	v46 =	vor.u32 v8, v41;
	v43 =	vmin.f32 v43, $1.000000000e+00  }
0xfa: {  	v52 =	vor.u32 v9, v41;
	v43 =	vmul.f32 v43, v45;
	_ =	sdelay $0x1  }
0xfb: {  	v43 =	vadd.f32 v43, v44;
	_ =	sdelay $0x1  }
0xfc: {  	[tilespmem:v46+s15+$0x0] =	vst.idx.msk $0xffff, v43  }
0xfd: {  	[tilespmem:v52+s15+$0x0] =	vst.idx.msk vm0, v43  }
0xfe: {  	v43 =	vld [tilespmem:$0x14B10];
	_ =	sdelay $0x4  }
0xff: {  	(xrf0) =	vadd.scan.msk.s32 $0xffff, v43;
	_ =	sdelay $0x1  }
0x100: {  	v53 =	vld.idx.msk [tilespmem:v10+s14+$0x0], $0xffff;
	_ =	sdelay $0x3  }
0x101: {  	v54, _, _ =	vpop (xrf0)  }
0x102: {  	v43 =	vadd.s32 v53, v54  }
0x103: {  	vm1 =	vlt.s32 v43, $0x3F  }
0x104: {  	v43 =	vnsel vm1, $0x3F, v43  }
0x105: {  	v55 =	vadd.s32 $0x1, v43;
	_ =	sdelay $0x3  }
0x106: {  	v45 =	vld.idx.msk [tilespmem:v43+s12+$0x0], $0xffff  }
0x107: {  	v44 =	vld.idx.msk [tilespmem:v55+s12+$0x0], $0xffff;
	_ =	sdelay $0x2  }
0x108: {  	v43 =	vshll.u32 v43, $0x1  }
0x109: {  	v56 =	vadd.s32 $0x2, v43  }
0x10a: {  	vm1 =	vlt.s32 v56, $0x7F;
	v44 =	vsub.f32 v44, v45  }
0x10b: {  	v57 =	vand.u32 $0xFFFFFF80, v43;
	v43 =	vand.u32 $0x7E, v43;
	v46 =	vnsel vm1, $0x7F, v56  }
0x10c: {  	v47 =	vadd.s32 v33, v57;
	v58 =	vand.u32 $0xFFFFFF80, v46;
	(erf) = vrcp.f32 v44  }
0x10d: {  	v43 =	vor.u32 v43, v47;
	v59 =	vand.u32 $0x7F, v46;
	v60 =	vadd.s32 v33, v58  }
0x10e: {  	v44 =	vor.u32 v59, v60;
	_ =	sdelay $0x3  }
0x10f: {  	v43 =	vld.idx.msk [tilespmem:v43+s8+$0x0], $0xffff  }
0x110: {  	v44 =	vld.idx.msk [tilespmem:v44+s8+$0x0], $0xffff  }
0x111: {  	v42 =	vsub.f32 v42, v45  }
0x112: {  	v61 =	vpop (erf)  }
0x113: {  	v42 =	vmul.f32 v61, v42;
	_ =	sdelay $0x1  }
0x114: {  	v44 =	vsub.f32 v44, v43;
	v42 =	vmax.f32 v42, $0.0e+00  }
0x115: {  	v62 =	vor.u32 v11, v41;
	v42 =	vmin.f32 v42, $1.000000000e+00  }
0x116: {  	v63 =	vor.u32 v12, v41;
	v42 =	vmul.f32 v42, v44;
	_ =	sdelay $0x1  }
0x117: {  	v42 =	vadd.f32 v42, v43;
	_ =	sdelay $0x1  }
0x118: {  	[tilespmem:v62+s15+$0x0] =	vst.idx.msk $0xffff, v42  }
0x119: {  	[tilespmem:v63+s15+$0x0] =	vst.idx.msk $0xffff, v42  }
0x11a: {  	v42 =	vld [tilespmem:$0x14B20];
	_ =	sdelay $0x4  }
0x11b: {  	(xrf0) =	vadd.scan.msk.s32 $0xffff, v42;
	_ =	sdelay $0x1  }
0x11c: {  	v47 =	vld.idx.msk [tilespmem:v13+s14+$0x0], $0xffff;
	_ =	sdelay $0x3  }
0x11d: {  	v48, _, _ =	vpop (xrf0)  }
0x11e: {  	v42 =	vadd.s32 v47, v48  }
0x11f: {  	vm1 =	vlt.s32 v42, $0x3F  }
0x120: {  	v42 =	vnsel vm1, $0x3F, v42  }
0x121: {  	v49 =	vadd.s32 $0x1, v42;
	_ =	sdelay $0x3  }
0x122: {  	v44 =	vld.idx.msk [tilespmem:v42+s12+$0x0], $0xffff  }
0x123: {  	v43 =	vld.idx.msk [tilespmem:v49+s12+$0x0], $0xffff;
	_ =	sdelay $0x2  }
0x124: {  	v42 =	vshll.u32 v42, $0x1  }
0x125: {  	v50 =	vadd.s32 $0x2, v42  }
0x126: {  	vm1 =	vlt.s32 v50, $0x7F;
	v43 =	vsub.f32 v43, v44  }
0x127: {  	v51 =	vand.u32 $0xFFFFFF80, v42;
	v42 =	vand.u32 $0x7E, v42;
	v45 =	vnsel vm1, $0x7F, v50  }
0x128: {  	v46 =	vadd.s32 v33, v51;
	v52 =	vand.u32 $0xFFFFFF80, v45;
	(erf) = vrcp.f32 v43  }
0x129: {  	v42 =	vor.u32 v42, v46;
	v53 =	vand.u32 $0x7F, v45;
	v54 =	vadd.s32 v33, v52  }
0x12a: {  	v43 =	vor.u32 v53, v54;
	_ =	sdelay $0x3  }
0x12b: {  	v42 =	vld.idx.msk [tilespmem:v42+s8+$0x0], $0xffff  }
0x12c: {  	v43 =	vld.idx.msk [tilespmem:v43+s8+$0x0], $0xffff  }
0x12d: {  	v40 =	vsub.f32 v40, v44  }
0x12e: {  	v55 =	vpop (erf)  }
0x12f: {  	v40 =	vmul.f32 v55, v40;
	_ =	sdelay $0x1  }
0x130: {  	v43 =	vsub.f32 v43, v42;
	v40 =	vmax.f32 v40, $0.0e+00  }
0x131: {  	v56 =	vor.u32 v14, v41;
	v40 =	vmin.f32 v40, $1.000000000e+00  }
0x132: {  	v57 =	vor.u32 v15, v41;
	v40 =	vmul.f32 v40, v43;
	_ =	sdelay $0x1  }
0x133: {  	v40 =	vadd.f32 v40, v42;
	_ =	sdelay $0x1  }
0x134: {  	[tilespmem:v56+s15+$0x0] =	vst.idx.msk $0xffff, v40  }
0x135: {  	[tilespmem:v57+s15+$0x0] =	vst.idx.msk $0xffff, v40  }
0x136: {  	v40 =	vld [tilespmem:$0x14B30];
	_ =	sdelay $0x4  }
0x137: {  	(xrf0) =	vadd.scan.msk.s32 $0xffff, v40;
	_ =	sdelay $0x1  }
0x138: {  	v58 =	vld.idx.msk [tilespmem:v16+s14+$0x0], $0xffff;
	_ =	sdelay $0x3  }
0x139: {  	v59, _, _ =	vpop (xrf0)  }
0x13a: {  	v40 =	vadd.s32 v58, v59  }
0x13b: {  	vm1 =	vlt.s32 v40, $0x3F  }
0x13c: {  	v40 =	vnsel vm1, $0x3F, v40  }
0x13d: {  	v60 =	vadd.s32 $0x1, v40;
	_ =	sdelay $0x3  }
0x13e: {  	v43 =	vld.idx.msk [tilespmem:v40+s12+$0x0], $0xffff  }
0x13f: {  	v42 =	vld.idx.msk [tilespmem:v60+s12+$0x0], $0xffff;
	_ =	sdelay $0x2  }
0x140: {  	v40 =	vshll.u32 v40, $0x1  }
0x141: {  	v61 =	vadd.s32 $0x2, v40  }
0x142: {  	vm1 =	vlt.s32 v61, $0x7F;
	v42 =	vsub.f32 v42, v43  }
0x143: {  	v62 =	vand.u32 $0xFFFFFF80, v40;
	v40 =	vand.u32 $0x7E, v40;
	v44 =	vnsel vm1, $0x7F, v61  }
0x144: {  	v45 =	vadd.s32 v33, v62;
	v63 =	vand.u32 $0xFFFFFF80, v44;
	(erf) = vrcp.f32 v42  }
0x145: {  	v40 =	vor.u32 v40, v45;
	v48 =	vand.u32 $0x7F, v44;
	v49 =	vadd.s32 v33, v63  }
0x146: {  	v42 =	vor.u32 v48, v49;
	_ =	sdelay $0x3  }
0x147: {  	v40 =	vld.idx.msk [tilespmem:v40+s8+$0x0], $0xffff  }
0x148: {  	v42 =	vld.idx.msk [tilespmem:v42+s8+$0x0], $0xffff  }
0x149: {  	v39 =	vsub.f32 v39, v43  }
0x14a: {  	v50 =	vpop (erf)  }
0x14b: {  	v39 =	vmul.f32 v50, v39;
	_ =	sdelay $0x1  }
0x14c: {  	v42 =	vsub.f32 v42, v40;
	v39 =	vmax.f32 v39, $0.0e+00  }
0x14d: {  	v51 =	vor.u32 v17, v41;
	v39 =	vmin.f32 v39, $1.000000000e+00  }
0x14e: {  	v52 =	vor.u32 v18, v41;
	v39 =	vmul.f32 v39, v42;
	_ =	sdelay $0x1  }
0x14f: {  	v39 =	vadd.f32 v39, v40;
	_ =	sdelay $0x1  }
0x150: {  	[tilespmem:v51+s15+$0x0] =	vst.idx.msk $0xffff, v39  }
0x151: {  	[tilespmem:v52+s15+$0x0] =	vst.idx.msk $0xffff, v39  }
0x152: {  	v39 =	vld [tilespmem:$0x14B40];
	_ =	sdelay $0x4  }
0x153: {  	(xrf0) =	vadd.scan.msk.s32 $0xffff, v39;
	_ =	sdelay $0x1  }
0x154: {  	v53 =	vld.idx.msk [tilespmem:v19+s14+$0x0], $0xffff;
	_ =	sdelay $0x3  }
0x155: {  	v54, _, _ =	vpop (xrf0)  }
0x156: {  	v39 =	vadd.s32 v53, v54  }
0x157: {  	vm1 =	vlt.s32 v39, $0x3F  }
0x158: {  	v39 =	vnsel vm1, $0x3F, v39  }
0x159: {  	v55 =	vadd.s32 $0x1, v39;
	_ =	sdelay $0x3  }
0x15a: {  	v42 =	vld.idx.msk [tilespmem:v39+s12+$0x0], $0xffff  }
0x15b: {  	v40 =	vld.idx.msk [tilespmem:v55+s12+$0x0], $0xffff;
	_ =	sdelay $0x2  }
0x15c: {  	v39 =	vshll.u32 v39, $0x1  }
0x15d: {  	v56 =	vadd.s32 $0x2, v39  }
0x15e: {  	vm1 =	vlt.s32 v56, $0x7F;
	v40 =	vsub.f32 v40, v42  }
0x15f: {  	v57 =	vand.u32 $0xFFFFFF80, v39;
	v39 =	vand.u32 $0x7E, v39;
	v43 =	vnsel vm1, $0x7F, v56  }
0x160: {  	v44 =	vadd.s32 v33, v57;
	v58 =	vand.u32 $0xFFFFFF80, v43;
	(erf) = vrcp.f32 v40  }
0x161: {  	v39 =	vor.u32 v39, v44;
	v59 =	vand.u32 $0x7F, v43;
	v60 =	vadd.s32 v33, v58  }
0x162: {  	v40 =	vor.u32 v59, v60;
	_ =	sdelay $0x3  }
0x163: {  	v39 =	vld.idx.msk [tilespmem:v39+s8+$0x0], $0xffff  }
0x164: {  	v40 =	vld.idx.msk [tilespmem:v40+s8+$0x0], $0xffff  }
0x165: {  	v38 =	vsub.f32 v38, v42  }
0x166: {  	v61 =	vpop (erf)  }
0x167: {  	v38 =	vmul.f32 v61, v38;
	_ =	sdelay $0x1  }
0x168: {  	v40 =	vsub.f32 v40, v39;
	v38 =	vmax.f32 v38, $0.0e+00  }
0x169: {  	v62 =	vor.u32 v20, v41;
	v38 =	vmin.f32 v38, $1.000000000e+00  }
0x16a: {  	v63 =	vor.u32 v21, v41;
	v38 =	vmul.f32 v38, v40;
	_ =	sdelay $0x1  }
0x16b: {  	v38 =	vadd.f32 v38, v39;
	_ =	sdelay $0x1  }
0x16c: {  	[tilespmem:v62+s15+$0x0] =	vst.idx.msk $0xffff, v38  }
0x16d: {  	[tilespmem:v63+s15+$0x0] =	vst.idx.msk $0xffff, v38  }
0x16e: {  	v38 =	vld [tilespmem:$0x14B50];
	_ =	sdelay $0x4  }
0x16f: {  	(xrf0) =	vadd.scan.msk.s32 $0xffff, v38;
	_ =	sdelay $0x1  }
0x170: {  	v44 =	vld.idx.msk [tilespmem:v22+s14+$0x0], $0xffff;
	_ =	sdelay $0x3  }
0x171: {  	v45, _, _ =	vpop (xrf0)  }
0x172: {  	v38 =	vadd.s32 v44, v45  }
0x173: {  	vm1 =	vlt.s32 v38, $0x3F  }
0x174: {  	v38 =	vnsel vm1, $0x3F, v38  }
0x175: {  	v46 =	vadd.s32 $0x1, v38;
	_ =	sdelay $0x3  }
0x176: {  	v40 =	vld.idx.msk [tilespmem:v38+s12+$0x0], $0xffff  }
0x177: {  	v39 =	vld.idx.msk [tilespmem:v46+s12+$0x0], $0xffff;
	_ =	sdelay $0x2  }
0x178: {  	v38 =	vshll.u32 v38, $0x1  }
0x179: {  	v47 =	vadd.s32 $0x2, v38  }
0x17a: {  	vm1 =	vlt.s32 v47, $0x7F;
	v39 =	vsub.f32 v39, v40  }
0x17b: {  	v48 =	vand.u32 $0xFFFFFF80, v38;
	v38 =	vand.u32 $0x7E, v38;
	v42 =	vnsel vm1, $0x7F, v47  }
0x17c: {  	v43 =	vadd.s32 v33, v48;
	v49 =	vand.u32 $0xFFFFFF80, v42;
	(erf) = vrcp.f32 v39  }
0x17d: {  	v38 =	vor.u32 v38, v43;
	v50 =	vand.u32 $0x7F, v42;
	v51 =	vadd.s32 v33, v49  }
0x17e: {  	v39 =	vor.u32 v50, v51;
	_ =	sdelay $0x3  }
0x17f: {  	v38 =	vld.idx.msk [tilespmem:v38+s8+$0x0], $0xffff  }
0x180: {  	v39 =	vld.idx.msk [tilespmem:v39+s8+$0x0], $0xffff  }
0x181: {  	v37 =	vsub.f32 v37, v40  }
0x182: {  	v52 =	vpop (erf)  }
0x183: {  	v37 =	vmul.f32 v52, v37;
	_ =	sdelay $0x1  }
0x184: {  	v39 =	vsub.f32 v39, v38;
	v37 =	vmax.f32 v37, $0.0e+00  }
0x185: {  	v53 =	vor.u32 v23, v41;
	v37 =	vmin.f32 v37, $1.000000000e+00  }
0x186: {  	v54 =	vor.u32 v24, v41;
	v37 =	vmul.f32 v37, v39;
	_ =	sdelay $0x1  }
0x187: {  	v37 =	vadd.f32 v37, v38;
	_ =	sdelay $0x1  }
0x188: {  	[tilespmem:v53+s15+$0x0] =	vst.idx.msk $0xffff, v37  }
0x189: {  	[tilespmem:v54+s15+$0x0] =	vst.idx.msk $0xffff, v37  }
0x18a: {  	v37 =	vld [tilespmem:$0x14B60];
	_ =	sdelay $0x4  }
0x18b: {  	(xrf0) =	vadd.scan.msk.s32 $0xffff, v37;
	_ =	sdelay $0x1  }
0x18c: {  	v55 =	vld.idx.msk [tilespmem:v25+s14+$0x0], $0xffff;
	_ =	sdelay $0x3  }
0x18d: {  	v56, _, _ =	vpop (xrf0)  }
0x18e: {  	v37 =	vadd.s32 v55, v56  }
0x18f: {  	vm1 =	vlt.s32 v37, $0x3F  }
0x190: {  	v37 =	vnsel vm1, $0x3F, v37  }
0x191: {  	v57 =	vadd.s32 $0x1, v37;
	_ =	sdelay $0x3  }
0x192: {  	v39 =	vld.idx.msk [tilespmem:v37+s12+$0x0], $0xffff  }
0x193: {  	v38 =	vld.idx.msk [tilespmem:v57+s12+$0x0], $0xffff;
	_ =	sdelay $0x2  }
0x194: {  	v37 =	vshll.u32 v37, $0x1  }
0x195: {  	v58 =	vadd.s32 $0x2, v37  }
0x196: {  	vm1 =	vlt.s32 v58, $0x7F;
	v38 =	vsub.f32 v38, v39  }
0x197: {  	v59 =	vand.u32 $0xFFFFFF80, v37;
	v37 =	vand.u32 $0x7E, v37;
	v40 =	vnsel vm1, $0x7F, v58  }
0x198: {  	v42 =	vadd.s32 v33, v59;
	v60 =	vand.u32 $0xFFFFFF80, v40;
	(erf) = vrcp.f32 v38  }
0x199: {  	v37 =	vor.u32 v37, v42;
	v61 =	vand.u32 $0x7F, v40;
	v62 =	vadd.s32 v33, v60  }
0x19a: {  	v38 =	vor.u32 v61, v62;
	_ =	sdelay $0x3  }
0x19b: {  	v37 =	vld.idx.msk [tilespmem:v37+s8+$0x0], $0xffff  }
0x19c: {  	v38 =	vld.idx.msk [tilespmem:v38+s8+$0x0], $0xffff  }
0x19d: {  	v36 =	vsub.f32 v36, v39  }
0x19e: {  	v63 =	vpop (erf)  }
0x19f: {  	v36 =	vmul.f32 v63, v36;
	_ =	sdelay $0x1  }
0x1a0: {  	v38 =	vsub.f32 v38, v37;
	v36 =	vmax.f32 v36, $0.0e+00  }
0x1a1: {  	v42 =	vor.u32 v26, v41;
	v36 =	vmin.f32 v36, $1.000000000e+00  }
0x1a2: {  	v43 =	vor.u32 v27, v41;
	v36 =	vmul.f32 v36, v38;
	_ =	sdelay $0x1  }
0x1a3: {  	v36 =	vadd.f32 v36, v37;
	_ =	sdelay $0x1  }
0x1a4: {  	[tilespmem:v42+s15+$0x0] =	vst.idx.msk $0xffff, v36  }
0x1a5: {  	[tilespmem:v43+s15+$0x0] =	vst.idx.msk $0xffff, v36  }
0x1a6: {  	v36 =	vld [tilespmem:$0x14B70];
	_ =	sdelay $0x4  }
0x1a7: {  	(xrf0) =	vadd.scan.msk.s32 $0xffff, v36;
	_ =	sdelay $0x1  }
0x1a8: {  	v44 =	vld.idx.msk [tilespmem:v28+s14+$0x0], $0xffff;
	_ =	sdelay $0x3  }
0x1a9: {  	v45, _, _ =	vpop (xrf0)  }
0x1aa: {  	v36 =	vadd.s32 v44, v45  }
0x1ab: {  	vm1 =	vlt.s32 v36, $0x3F  }
0x1ac: {  	v36 =	vnsel vm1, $0x3F, v36  }
0x1ad: {  	v46 =	vadd.s32 $0x1, v36;
	_ =	sdelay $0x3  }
0x1ae: {  	v38 =	vld.idx.msk [tilespmem:v36+s12+$0x0], $0xffff  }
0x1af: {  	v37 =	vld.idx.msk [tilespmem:v46+s12+$0x0], $0xffff;
	_ =	sdelay $0x2  }
0x1b0: {  	v36 =	vshll.u32 v36, $0x1  }
0x1b1: {  	v47 =	vadd.s32 $0x2, v36  }
0x1b2: {  	vm1 =	vlt.s32 v47, $0x7F;
	v37 =	vsub.f32 v37, v38  }
0x1b3: {  	v48 =	vand.u32 $0xFFFFFF80, v36;
	v36 =	vand.u32 $0x7E, v36;
	v39 =	vnsel vm1, $0x7F, v47  }
0x1b4: {  	v40 =	vadd.s32 v33, v48;
	v49 =	vand.u32 $0xFFFFFF80, v39;
	(erf) = vrcp.f32 v37  }
0x1b5: {  	v36 =	vor.u32 v36, v40;
	v50 =	vand.u32 $0x7F, v39;
	v51 =	vadd.s32 v33, v49  }
0x1b6: {  	v37 =	vor.u32 v50, v51;
	_ =	sdelay $0x3  }
0x1b7: {  	v36 =	vld.idx.msk [tilespmem:v36+s8+$0x0], $0xffff  }
0x1b8: {  	v37 =	vld.idx.msk [tilespmem:v37+s8+$0x0], $0xffff  }
0x1b9: {  	v35 =	vsub.f32 v35, v38  }
0x1ba: {  	v52 =	vpop (erf)  }
0x1bb: {  	v35 =	vmul.f32 v52, v35;
	_ =	sdelay $0x1  }
0x1bc: {  	v37 =	vsub.f32 v37, v36;
	v35 =	vmax.f32 v35, $0.0e+00  }
0x1bd: {  	v53 =	vor.u32 v29, v41;
	v35 =	vmin.f32 v35, $1.000000000e+00  }
0x1be: {  	v54 =	vor.u32 v30, v41;
	v35 =	vmul.f32 v35, v37;
	_ =	sdelay $0x1  }
0x1bf: {  	v35 =	vadd.f32 v35, v36;
	_ =	sdelay $0x1  }
0x1c0: {  	[tilespmem:v53+s15+$0x0] =	vst.idx.msk $0xffff, v35  }
0x1c1: {  	[tilespmem:v54+s15+$0x0] =	vst.idx.msk $0xffff, v35  }
0x1c2: {  	v35 =	vld [tilespmem:$0x14C00];
	_ =	sdelay $0x4  }
0x1c3: {  	(xrf0) =	vadd.scan.msk.s32 $0xffff, v35;
	_ =	sdelay $0x1  }
0x1c4: {  	v55 =	vld.idx.msk [tilespmem:v31+s14+$0x0], $0xffff;
	_ =	sdelay $0x3  }
0x1c5: {  	v56, _, _ =	vpop (xrf0)  }
0x1c6: {  	v35 =	vadd.s32 v55, v56  }
0x1c7: {  	vm1 =	vlt.s32 v35, $0x3F  }
0x1c8: {  	v35 =	vnsel vm1, $0x3F, v35  }
0x1c9: {  	v57 =	vadd.s32 $0x1, v35;
	_ =	sdelay $0x3  }
0x1ca: {  	v37 =	vld.idx.msk [tilespmem:v35+s12+$0x0], $0xffff  }
0x1cb: {  	v36 =	vld.idx.msk [tilespmem:v57+s12+$0x0], $0xffff;
	_ =	sdelay $0x2  }
0x1cc: {  	v35 =	vshll.u32 v35, $0x1  }
0x1cd: {  	v58 =	vadd.s32 $0x2, v35  }
0x1ce: {  	vm1 =	vlt.s32 v58, $0x7F;
	v36 =	vsub.f32 v36, v37  }
0x1cf: {  	v59 =	vand.u32 $0xFFFFFF80, v35;
	v35 =	vand.u32 $0x7E, v35;
	v38 =	vnsel vm1, $0x7F, v58  }
0x1d0: {  	v39 =	vadd.s32 v33, v59;
	v60 =	vand.u32 $0xFFFFFF80, v38;
	(erf) = vrcp.f32 v36  }
0x1d1: {  	v35 =	vor.u32 v35, v39;
	v61 =	vand.u32 $0x7F, v38;
	v33 =	vadd.s32 v33, v60  }
0x1d2: {  	v33 =	vor.u32 v61, v33;
	_ =	sdelay $0x3  }
0x1d3: {  	v35 =	vld.idx.msk [tilespmem:v35+s8+$0x0], $0xffff  }
0x1d4: {  	v33 =	vld.idx.msk [tilespmem:v33+s8+$0x0], $0xffff  }
0x1d5: {  	v34 =	vsub.f32 v34, v37  }
0x1d6: {  	v62 =	vpop (erf)  }
0x1d7: {  	v34 =	vmul.f32 v62, v34;
	_ =	sdelay $0x1  }
0x1d8: {  	v33 =	vsub.f32 v33, v35;
	v34 =	vmax.f32 v34, $0.0e+00  }
0x1d9: {  	p0 =	sne.s32 s21, $0x7F;
	v63 =	vor.u32 v32, v41;
	v34 =	vmin.f32 v34, $1.000000000e+00  }
.Ltmp0:
0x1da: {  	v33 =	vmul.f32 v34, v33;
	(pc) =	sbr.rel @p0 .LBB2_2-.Ltmp0, $4  }
0x1db: {  	_ = 	snop  }
0x1dc: {  	v33 =	vadd.f32 v33, v35  }
0x1dd: {  	s20 =	sadd.s32 $0x90, s20  }
0x1de: {  	s18 =	sadd.s32 $0x80, s18;
	s21 =	sadd.s32 $0x1, s21;
	s19 =	sadd.s32 $0x90, s19;
	[tilespmem:v63+s15+$0x0] =	vst.idx.msk $0x1, v33  }
0x1df: {  	s17 =	sadd.s32 $0x1, s17  }
0x1e0: {  	p0 =	sne.s32 s17, s7  }
.Ltmp1:
0x1e1: {  	_ = 	snop;
	(pc) =	sbr.rel @p0 .LBB2_1-.Ltmp1, $4  }
0x1e2: {  	[hbm4b:s6+s2] =	stream.linear.scatter [tilespmem:s15], [sflag:$0x2], $0x8000, $0x38;
	[tilespmem:$0x14E00] =	vst v63  }
0x1e3: {  	_ =	swait.ge [sflag:s16], $0x8000  }
0x1e4: {  	[sflag:s16] =	ssyncset.done $0x0  }
0x1e5: {  	[sflag:s16] =	ssyncadd.s32 $0xFFFF8000  }
0x1e6: {  	_ =	sfence.sel $0x180000  }
0x1e7: {  	[bflag:$0x0] =	sbarrier.arrive $0xFFFF  }
0x1e8: {  	p0 =	sne.s32 s0, $0x0;
	_ =	strace $0x90000047  }
0x1e9: {  	s0 =	sadd.s32 @!p0 $0x100000, s1;
	[bflag:$0x2] =	sbarrier.arrive $0xFFFF  }
0x1ea: {  	[sflag:s0] =	ssyncadd.tile.s32 @!p0 $0x1;
	_ =	shalt  }
.Lfunc_end2:
_tile_overlayer_lowered:
.L_overlay_start_2:
0x1eb: {  	(tag) =	ssettag $0x2  }
0x1ec: {  	s0 =	rddreg [dreg:$0x0];
	s2 =	stileid.u32  }
0x1ed: {  	s1 =	rddreg [dreg:$0x1];
	p0 =	sne.s32 s2, $0x0  }
0x1ee: {  	s3 =	rddreg [dreg:$0x2];
	[bflag:$0x3] =	sbarrier.arrive $0xFFFF;
	s2 =	simm.s32 @!p0 $0x1C02  }
0x1ef: {  	[timem:s3], [sflag:s2] =	dma.local @!p0 [hbm:s0], s1  }
0x1f0: {  	s0 =	simm.s32 @!p0 $0x2  }
0x1f1: {  	_ =	swait.ge @!p0 [sflag:s0], s1  }
0x1f2: {  	s1 =	ssub.s32 @!p0 $0x0, s1;
	[sflag:s0] =	ssyncset.done @!p0 $0x0  }
0x1f3: {  	[sflag:s0] =	ssyncadd.s32 @!p0 s1  }
0x1f4: {  	[bflag:$0x3] =	sbarrier.arrive $0xFFFF  }
0x1f5: {  	_ =	shalt  }

</sc_bundles>
